<compile_context>
chip_gen: v7x
topology: tpu7x:2x2x1
jax: 0.10.2.dev20260603
libtpu: 0.0.44.dev20260713+nightly
codegen_flags: <defaults>
</compile_context>

<pallas_src>
import functools

import jax
import jax.numpy as jnp
from jax.experimental import pallas as pl
from jax.experimental.pallas import tpu as pltpu

_R = 0.072
_R2 = _R * _R
_BM = 16
_BN = 128
_GRID = 8


def _ab_body(ymp_ref, xmp_ref, w1y_ref, w1x_ref, b1_ref, a_ref, b_ref):
    a_ref[:, :] = (
        jnp.dot(ymp_ref[:, :], w1y_ref[:, :],
                preferred_element_type=jnp.float32,
                precision=jax.lax.Precision.HIGHEST)
        + b1_ref[0:1, :]
    )
    b_ref[:, :] = jnp.dot(xmp_ref[:, :], w1x_ref[:, :],
                          preferred_element_type=jnp.float32,
                          precision=jax.lax.Precision.HIGHEST)


def _main_body(nj, xs8_ref, bs_ref, ys8_ref, as_ref, fs_ref, w2_ref, b2_ref,
               out_ref, acc_ref, fsum_ref, cnt_ref):
    acc_ref[:, :] = jnp.zeros_like(acc_ref)
    fsum_ref[:, :] = jnp.zeros_like(fsum_ref)
    cnt_ref[:, :] = jnp.zeros_like(cnt_ref)

    x8 = xs8_ref[:, :]
    bq = bs_ref[:, :]
    w2 = w2_ref[:, :]

    def jstep(j, carry):
        yt = ys8_ref[pl.ds(j * _BN, _BN), :]
        d2 = jax.lax.dot_general(
            x8, yt, (((1,), (1,)), ((), ())),
            preferred_element_type=jnp.float32,
            precision=jax.lax.Precision.HIGHEST)
        mask = d2 <= _R2

        @pl.when(jnp.any(mask))
        def _():
            at = as_ref[pl.ds(j * _BN, _BN), :]
            ft = fs_ref[pl.ds(j * _BN, _BN), :]
            mf = mask.astype(jnp.float32)

            h3 = jax.nn.gelu(bq[:, None, :] + at[None, :, :])
            h2 = h3.reshape(_BM * _BN, 512)
            kk = jnp.dot(h2, w2, preferred_element_type=jnp.float32)
            k3 = kk.reshape(_BM, _BN, 256)
            k3 = k3 * ft[None, :, :] * mf[:, :, None]
            acc_ref[:, :] += jnp.sum(k3, axis=1)
            fsum_ref[:, :] += jnp.dot(mf, ft,
                                      preferred_element_type=jnp.float32)
            cnt_ref[:, :] += jnp.sum(mf, axis=1, keepdims=True)

        return carry

    jax.lax.fori_loop(0, nj, jstep, 0)

    cntc = jnp.maximum(cnt_ref[:, 0:1], 1.0)
    out_ref[:, :] = (acc_ref[:, :] + b2_ref[0:1, :] * fsum_ref[:, :]) / cntc


def kernel(y, x, f_y, W1, b1, W2, b2):
    m = x.shape[0]
    n = y.shape[0]
    c = f_y.shape[1]

    def cell_id(p):
        ci = jnp.clip((p * _GRID).astype(jnp.int32), 0, _GRID - 1)
        return (ci[:, 0] * _GRID + ci[:, 1]) * _GRID + ci[:, 2]

    perm_x = jnp.argsort(cell_id(x))
    perm_y = jnp.argsort(cell_id(y))
    xs = x[perm_x]
    ys = y[perm_y]
    fs = f_y[perm_y]
    inv_x = jnp.argsort(perm_x)

    pad = ((max(m, n) + 127) // 128) * 128
    m_pad = pad
    n_pad = pad
    big = jnp.float32(1e9)

    xn2 = jnp.sum(xs * xs, axis=1)
    yn2 = jnp.sum(ys * ys, axis=1)
    xs8 = jnp.zeros((m_pad, 8), jnp.float32)
    xs8 = xs8.at[:m, 0:3].set(-2.0 * xs)
    xs8 = xs8.at[:m, 3].set(xn2)
    xs8 = xs8.at[:m, 4].set(1.0)
    xs8 = xs8.at[m:, 3].set(big)
    xs8 = xs8.at[m:, 4].set(1.0)
    ys8 = jnp.zeros((n_pad, 8), jnp.float32)
    ys8 = ys8.at[:n, 0:3].set(ys)
    ys8 = ys8.at[:n, 3].set(1.0)
    ys8 = ys8.at[:n, 4].set(yn2)
    ys8 = ys8.at[n:, 3].set(1.0)
    ys8 = ys8.at[n:, 4].set(big)

    ymp = jnp.zeros((n_pad, 8), jnp.float32).at[:n, 0:3].set(ys)
    xmp = jnp.zeros((m_pad, 8), jnp.float32).at[:m, 0:3].set(xs)
    w1y = jnp.zeros((8, 512), jnp.float32).at[0:3, :].set(W1[0:3])
    w1x = jnp.zeros((8, 512), jnp.float32).at[0:3, :].set(W1[3:6])
    b1r = jnp.broadcast_to(b1[None, :], (8, 512))
    b2r = jnp.broadcast_to(b2[None, :], (8, c))

    assert m_pad == n_pad
    tb = 256
    a_s, b_s = pl.pallas_call(
        _ab_body,
        grid=(n_pad // tb,),
        in_specs=[
            pl.BlockSpec((tb, 8), lambda i: (i, 0)),
            pl.BlockSpec((tb, 8), lambda i: (i, 0)),
            pl.BlockSpec((8, 512), lambda i: (0, 0)),
            pl.BlockSpec((8, 512), lambda i: (0, 0)),
            pl.BlockSpec((8, 512), lambda i: (0, 0)),
        ],
        out_specs=[
            pl.BlockSpec((tb, 512), lambda i: (i, 0)),
            pl.BlockSpec((tb, 512), lambda i: (i, 0)),
        ],
        out_shape=[
            jax.ShapeDtypeStruct((n_pad, 512), jnp.float32),
            jax.ShapeDtypeStruct((m_pad, 512), jnp.float32),
        ],
    )(ymp, xmp, w1y, w1x, b1r)

    fsp = jnp.zeros((n_pad, c), jnp.float32).at[:n].set(fs)

    nj = n_pad // _BN
    out_s = pl.pallas_call(
        functools.partial(_main_body, nj),
        grid=(m_pad // _BM,),
        in_specs=[
            pl.BlockSpec((_BM, 8), lambda i: (i, 0)),
            pl.BlockSpec((_BM, 512), lambda i: (i, 0)),
            pl.BlockSpec((n_pad, 8), lambda i: (0, 0)),
            pl.BlockSpec((n_pad, 512), lambda i: (0, 0)),
            pl.BlockSpec((n_pad, c), lambda i: (0, 0)),
            pl.BlockSpec((512, 256), lambda i: (0, 0)),
            pl.BlockSpec((8, c), lambda i: (0, 0)),
        ],
        out_specs=pl.BlockSpec((_BM, c), lambda i: (i, 0)),
        out_shape=jax.ShapeDtypeStruct((m_pad, c), jnp.float32),
        scratch_shapes=[
            pltpu.VMEM((_BM, c), jnp.float32),
            pltpu.VMEM((_BM, c), jnp.float32),
            pltpu.VMEM((_BM, 128), jnp.float32),
        ],
    )(xs8, b_s, ys8, a_s, fsp, W2, b2r)

    return out_s[:m][inv_x]

# --- scband reference (transcript-rebuilt; emitter-appended) ---
"""Pipeline reference for scband-gnoblock-56289841382020 (READ-ONLY COPY).

The authoritative reference and input builder live on the scoring server;
editing this copy changes nothing except your own understanding.
"""

import jax, jax.numpy as jnp
import numpy as np

RADIUS = 0.072

def radius_search(y, x, radius, chunk=1024):
    # brute-force fixed-radius neighbor search (replaces open3d/fallback search)
    r2 = radius * radius
    yn2 = jnp.sum(y * y, axis=-1)
    masks = []
    m = x.shape[0]
    for i in range(0, m, chunk):
        xc = x[i:i + chunk]
        xn2 = jnp.sum(xc * xc, axis=-1)
        d2 = xn2[:, None] + yn2[None, :] - 2.0 * (xc @ y.T)
        masks.append(d2 <= r2)
    return jnp.concatenate(masks, axis=0)


def setup_inputs(seed: int = 0) -> dict:
    key = jax.random.key(seed)
    k1, k2, k3, k4, k5 = jax.random.split(key, 5)
    y = jax.random.uniform(k1, (10000, 3), dtype=jnp.float32)
    x = jax.random.uniform(k2, (10000, 3), dtype=jnp.float32)
    f_y = jax.random.normal(k3, (10000, 256), dtype=jnp.float32)
    # LinearChannelMLP params: layers [6, 512, 256] (kernel_in_dim=2*coord_dim=6)
    W1 = jax.random.normal(k4, (6, 512), dtype=jnp.float32) * 0.1
    b1 = jnp.zeros((512,), dtype=jnp.float32)
    W2 = jax.random.normal(k5, (512, 256), dtype=jnp.float32) * 0.05
    b2 = jnp.zeros((256,), dtype=jnp.float32)
    return {"y": y, "x": x, "f_y": f_y, "W1": W1, "b1": b1, "W2": W2, "b2": b2}


def reference(y, x, f_y, W1, b1, W2, b2):
    # 1) neighbor search within radius
    mask = radius_search(y, x, RADIUS)   # [m, n] boolean adjacency
    # 2) IntegralTransform, transform_type='linear' (case (b)):
    #    k(x, y) = MLP(cat[y_nbr, x_rep]); out = mean_{y in A(x)} k(x,y) * f(y)
    m = x.shape[0]
    n = y.shape[0]
    cx = 16

    def chunk_fn(args):
        xc, mc = args                                        # [cx, 3], [cx, n]
        yb = jnp.broadcast_to(y[None, :, :], (cx, n, 3))     # gathered data points
        xb = jnp.broadcast_to(xc[:, None, :], (cx, n, 3))    # repeated query points
        agg = jnp.concatenate([yb, xb], axis=-1)             # [cx, n, 6]
        h = jax.nn.gelu(agg @ W1 + b1)
        kxy = h @ W2 + b2                                    # [cx, n, 256]
        vals = jnp.where(mc[:, :, None], kxy * f_y[None, :, :], 0.0)
        s = jnp.sum(vals, axis=1)                            # [cx, 256]
        c = jnp.sum(mc.astype(vals.dtype), axis=1)           # [cx]
        return s, c

    sums, counts = jax.lax.map(
        chunk_fn, (x.reshape(-1, cx, 3), mask.reshape(-1, cx, n))
    )
    sums = sums.reshape(m, -1)
    counts = counts.reshape(m)
    out = sums / jnp.clip(counts, 1.0)[:, None]   # mean reduction (weights=None -> 1/|A(x)|)
    return out

if __name__ == "__main__":
    import jax
    _d = setup_inputs()
    print(jax.jit(kernel)(*tuple(_d.values())))

</pallas_src>

<mosaic_0001>
module attributes {stable_mosaic.version = 14 : i64} {
  func.func @_ab_body(%arg0: i32, %arg1: memref<256x8xf32, #tpu.memory_space<vmem>>, %arg2: memref<256x8xf32, #tpu.memory_space<vmem>>, %arg3: memref<8x512xf32, #tpu.memory_space<vmem>>, %arg4: memref<8x512xf32, #tpu.memory_space<vmem>>, %arg5: memref<8x512xf32, #tpu.memory_space<vmem>>, %arg6: memref<256x512xf32, #tpu.memory_space<vmem>>, %arg7: memref<256x512xf32, #tpu.memory_space<vmem>>) attributes {dimension_semantics = [#tpu.dimension_semantics<arbitrary>], iteration_bounds = array<i64: 39>, scalar_prefetch = 0 : i64, scratch_operands = 0 : i64, tpu.core_type = #tpu.core_type<tc>, window_params = [{transform_indices = @transform_0, window_bounds = array<i64: 256, 8>}, {transform_indices = @transform_1, window_bounds = array<i64: 256, 8>}, {pipeline_mode = #tpu.pipeline_mode<synchronous>, transform_indices = @transform_2, window_bounds = array<i64: 8, 512>}, {pipeline_mode = #tpu.pipeline_mode<synchronous>, transform_indices = @transform_3, window_bounds = array<i64: 8, 512>}, {pipeline_mode = #tpu.pipeline_mode<synchronous>, transform_indices = @transform_4, window_bounds = array<i64: 8, 512>}, {transform_indices = @transform_5, window_bounds = array<i64: 256, 512>}, {transform_indices = @transform_6, window_bounds = array<i64: 256, 512>}]} {
    %get3A = arith.constant 0 : index
    %get3A_0 = arith.constant 0 : index
    %get3A_1 = vector.load %arg1[%get3A, %get3A_0] : memref<256x8xf32, #tpu.memory_space<vmem>>, vector<256x8xf32>
    %get3A_2 = arith.constant 0 : index
    %get3A_3 = arith.constant 0 : index
    %get3A_4 = vector.load %arg3[%get3A_2, %get3A_3] : memref<8x512xf32, #tpu.memory_space<vmem>>, vector<8x512xf32>
    %dot_general3A = arith.constant dense<0.000000e+00> : vector<256x512xf32>
    %dot_general3A_5 = tpu.matmul %get3A_1, %get3A_4, %dot_general3A {dimension_numbers = #tpu.dot_dimension_numbers<[1], [0], [0], [1], [0, 0, 1, 1], [], []>, precision = #tpu.contract_precision<fp32>, transpose_lhs_hint = false} : vector<256x8xf32>, vector<8x512xf32>, vector<256x512xf32> -> vector<256x512xf32>
    %get3A_6 = arith.constant 0 : index
    %get3A_7 = arith.constant 0 : index
    %get3A_8 = vector.load %arg5[%get3A_6, %get3A_7] : memref<8x512xf32, #tpu.memory_space<vmem>>, vector<1x512xf32>
    %add3A = vector.broadcast %get3A_8 : vector<1x512xf32> to vector<256x512xf32>
    %add3A_9 = arith.addf %dot_general3A_5, %add3A : vector<256x512xf32>
    %swap3A = arith.constant 0 : index
    %swap3A_10 = arith.constant 0 : index
    %swap3A_11 = vector.load %arg6[%swap3A, %swap3A_10] : memref<256x512xf32, #tpu.memory_space<vmem>>, vector<256x512xf32>
    tpu.vector_store %arg6[%swap3A, %swap3A_10], %add3A_9 {strides = array<i32>} : memref<256x512xf32, #tpu.memory_space<vmem>>, vector<256x512xf32>,
    %get3A_12 = arith.constant 0 : index
    %get3A_13 = arith.constant 0 : index
    %get3A_14 = vector.load %arg2[%get3A_12, %get3A_13] : memref<256x8xf32, #tpu.memory_space<vmem>>, vector<256x8xf32>
    %get3A_15 = arith.constant 0 : index
    %get3A_16 = arith.constant 0 : index
    %get3A_17 = vector.load %arg4[%get3A_15, %get3A_16] : memref<8x512xf32, #tpu.memory_space<vmem>>, vector<8x512xf32>
    %dot_general3A_18 = arith.constant dense<0.000000e+00> : vector<256x512xf32>
    %dot_general3A_19 = tpu.matmul %get3A_14, %get3A_17, %dot_general3A_18 {dimension_numbers = #tpu.dot_dimension_numbers<[1], [0], [0], [1], [0, 0, 1, 1], [], []>, precision = #tpu.contract_precision<fp32>, transpose_lhs_hint = false} : vector<256x8xf32>, vector<8x512xf32>, vector<256x512xf32> -> vector<256x512xf32>
    %swap3A_20 = arith.constant 0 : index
    %swap3A_21 = arith.constant 0 : index
    %swap3A_22 = vector.load %arg7[%swap3A_20, %swap3A_21] : memref<256x512xf32, #tpu.memory_space<vmem>>, vector<256x512xf32>
    tpu.vector_store %arg7[%swap3A_20, %swap3A_21], %dot_general3A_19 {strides = array<i32>} : memref<256x512xf32, #tpu.memory_space<vmem>>, vector<256x512xf32>,
    return
  }
  func.func @transform_0(%arg0: i32) -> (i32, i32) {
    %c0_i32 = arith.constant 0 : i32
    %c0_i32_0 = arith.constant 0 : i32
    return %arg0, %c0_i32 : i32, i32
  }
  func.func @transform_1(%arg0: i32) -> (i32, i32) {
    %c0_i32 = arith.constant 0 : i32
    %c0_i32_0 = arith.constant 0 : i32
    return %arg0, %c0_i32 : i32, i32
  }
  func.func @transform_2(%arg0: i32) -> (i32, i32) {
    %c0_i32 = arith.constant 0 : i32
    %c0_i32_0 = arith.constant 0 : i32
    %c0_i32_1 = arith.constant 0 : i32
    return %c0_i32, %c0_i32_0 : i32, i32
  }
  func.func @transform_3(%arg0: i32) -> (i32, i32) {
    %c0_i32 = arith.constant 0 : i32
    %c0_i32_0 = arith.constant 0 : i32
    %c0_i32_1 = arith.constant 0 : i32
    return %c0_i32, %c0_i32_0 : i32, i32
  }
  func.func @transform_4(%arg0: i32) -> (i32, i32) {
    %c0_i32 = arith.constant 0 : i32
    %c0_i32_0 = arith.constant 0 : i32
    %c0_i32_1 = arith.constant 0 : i32
    return %c0_i32, %c0_i32_0 : i32, i32
  }
  func.func @transform_5(%arg0: i32) -> (i32, i32) {
    %c0_i32 = arith.constant 0 : i32
    %c0_i32_0 = arith.constant 0 : i32
    return %arg0, %c0_i32 : i32, i32
  }
  func.func @transform_6(%arg0: i32) -> (i32, i32) {
    %c0_i32 = arith.constant 0 : i32
    %c0_i32_0 = arith.constant 0 : i32
    return %arg0, %c0_i32 : i32, i32
  }
}

module attributes {stable_mosaic.version = 14 : i64} {
  func.func @_main_body(%arg0: i32, %arg1: memref<16x8xf32, #tpu.memory_space<vmem>>, %arg2: memref<16x512xf32, #tpu.memory_space<vmem>>, %arg3: memref<10112x8xf32, #tpu.memory_space<vmem>>, %arg4: memref<10112x512xf32, #tpu.memory_space<vmem>>, %arg5: memref<10112x256xf32, #tpu.memory_space<vmem>>, %arg6: memref<512x256xf32, #tpu.memory_space<vmem>>, %arg7: memref<8x256xf32, #tpu.memory_space<vmem>>, %arg8: memref<16x256xf32, #tpu.memory_space<vmem>>, %arg9: memref<16x256xf32, #tpu.memory_space<vmem>>, %arg10: memref<16x256xf32, #tpu.memory_space<vmem>>, %arg11: memref<16x128xf32, #tpu.memory_space<vmem>>) attributes {dimension_semantics = [#tpu.dimension_semantics<arbitrary>], iteration_bounds = array<i64: 632>, scalar_prefetch = 0 : i64, scratch_operands = 3 : i64, tpu.core_type = #tpu.core_type<tc>, window_params = [{transform_indices = @transform_0, window_bounds = array<i64: 16, 8>}, {transform_indices = @transform_1, window_bounds = array<i64: 16, 512>}, {pipeline_mode = #tpu.pipeline_mode<synchronous>, transform_indices = @transform_2, window_bounds = array<i64: 10112, 8>}, {pipeline_mode = #tpu.pipeline_mode<synchronous>, transform_indices = @transform_3, window_bounds = array<i64: 10112, 512>}, {pipeline_mode = #tpu.pipeline_mode<synchronous>, transform_indices = @transform_4, window_bounds = array<i64: 10112, 256>}, {pipeline_mode = #tpu.pipeline_mode<synchronous>, transform_indices = @transform_5, window_bounds = array<i64: 512, 256>}, {pipeline_mode = #tpu.pipeline_mode<synchronous>, transform_indices = @transform_6, window_bounds = array<i64: 8, 256>}, {transform_indices = @transform_7, window_bounds = array<i64: 16, 256>}]} {
    %broadcast_in_dim3A = arith.constant 0.000000e+00 : f32
    %broadcast_in_dim3A_0 = vector.broadcast %broadcast_in_dim3A : f32 to vector<16x256xf32>
    %swap3A = arith.constant 0 : index
    %swap3A_1 = arith.constant 0 : index
    %swap3A_2 = vector.load %arg9[%swap3A, %swap3A_1] : memref<16x256xf32, #tpu.memory_space<vmem>>, vector<16x256xf32>
    tpu.vector_store %arg9[%swap3A, %swap3A_1], %broadcast_in_dim3A_0 {strides = array<i32>} : memref<16x256xf32, #tpu.memory_space<vmem>>, vector<16x256xf32>,
    %broadcast_in_dim3A_3 = arith.constant 0.000000e+00 : f32
    %broadcast_in_dim3A_4 = vector.broadcast %broadcast_in_dim3A_3 : f32 to vector<16x256xf32>
    %swap3A_5 = arith.constant 0 : index
    %swap3A_6 = arith.constant 0 : index
    %swap3A_7 = vector.load %arg10[%swap3A_5, %swap3A_6] : memref<16x256xf32, #tpu.memory_space<vmem>>, vector<16x256xf32>
    tpu.vector_store %arg10[%swap3A_5, %swap3A_6], %broadcast_in_dim3A_4 {strides = array<i32>} : memref<16x256xf32, #tpu.memory_space<vmem>>, vector<16x256xf32>,
    %broadcast_in_dim3A_8 = arith.constant 0.000000e+00 : f32
    %broadcast_in_dim3A_9 = vector.broadcast %broadcast_in_dim3A_8 : f32 to vector<16x128xf32>
    %swap3A_10 = arith.constant 0 : index
    %swap3A_11 = arith.constant 0 : index
    %swap3A_12 = vector.load %arg11[%swap3A_10, %swap3A_11] : memref<16x128xf32, #tpu.memory_space<vmem>>, vector<16x128xf32>
    tpu.vector_store %arg11[%swap3A_10, %swap3A_11], %broadcast_in_dim3A_9 {strides = array<i32>} : memref<16x128xf32, #tpu.memory_space<vmem>>, vector<16x128xf32>,
    %get3A = arith.constant 0 : index
    %get3A_13 = arith.constant 0 : index
    %get3A_14 = vector.load %arg1[%get3A, %get3A_13] : memref<16x8xf32, #tpu.memory_space<vmem>>, vector<16x8xf32>
    %get3A_15 = arith.constant 0 : index
    %get3A_16 = arith.constant 0 : index
    %get3A_17 = vector.load %arg2[%get3A_15, %get3A_16] : memref<16x512xf32, #tpu.memory_space<vmem>>, vector<16x512xf32>
    %get3A_18 = arith.constant 0 : index
    %get3A_19 = arith.constant 0 : index
    %get3A_20 = vector.load %arg6[%get3A_18, %get3A_19] : memref<512x256xf32, #tpu.memory_space<vmem>>, vector<512x256xf32>
    %scan3A = arith.constant 0 : i32
    %scan3A_21 = arith.constant 79 : i32
    %scan3A_22 = arith.addi %scan3A, %scan3A_21 : i32
    %scan3A_23 = arith.constant 1 : i32
    scf.for %scan3A_44 = %scan3A to %scan3A_22 step %scan3A_23  : i32 {
      %mul3A_45 = arith.constant 128 : i32
      %mul3A_46 = arith.muli %scan3A_44, %mul3A_45 : i32
      %get3A_47 = arith.index_cast %mul3A_46 : i32 to index
      %get3A_48 = arith.constant 0 : index
      %get3A_49 = vector.load %arg3[%get3A_47, %get3A_48] : memref<10112x8xf32, #tpu.memory_space<vmem>>, vector<128x8xf32>
      %dot_general3A = arith.constant dense<0.000000e+00> : vector<16x128xf32>
      %dot_general3A_50 = tpu.matmul %get3A_14, %get3A_49, %dot_general3A {dimension_numbers = #tpu.dot_dimension_numbers<[1], [1], [0], [0], [0, 0, 1, 0], [], []>, precision = #tpu.contract_precision<fp32>, transpose_lhs_hint = false} : vector<16x8xf32>, vector<128x8xf32>, vector<16x128xf32> -> vector<16x128xf32>
      %le3A = arith.constant 5.184000e-03 : f32
      %le3A_51 = vector.broadcast %le3A : f32 to vector<16x128xf32>
      %le3A_52 = arith.cmpf ole, %dot_general3A_50, %le3A_51 : vector<16x128xf32>
      %reduce_or3A = arith.constant 1.000000e+00 : f32
      %reduce_or3A_53 = arith.constant 0.000000e+00 : f32
      %reduce_or3A_54 = vector.broadcast %reduce_or3A : f32 to vector<16x128xf32>
      %reduce_or3A_55 = vector.broadcast %reduce_or3A_53 : f32 to vector<16x128xf32>
      %reduce_or3A_56 = arith.select %le3A_52, %reduce_or3A_54, %reduce_or3A_55 : vector<16x128xi1>, vector<16x128xf32>
      %reduce_or3A_57 = vector.shape_cast %reduce_or3A_56 : vector<16x128xf32> to vector<1x16x128xf32>
      %reduce_or3A_58 = arith.constant dense<0xFF800000> : vector<1xf32>
      %reduce_or3A_59 = vector.multi_reduction <maximumf>, %reduce_or3A_57, %reduce_or3A_58 [1, 2] : vector<1x16x128xf32> to vector<1xf32>
      %reduce_or3A_60 = vector.shape_cast %reduce_or3A_59 : vector<1xf32> to vector<1x1x1xf32>
      %reduce_or3A_61 = vector.extract %reduce_or3A_60[0, 0, 0] : f32 from vector<1x1x1xf32>
      %reduce_or3A_62 = arith.constant 0.000000e+00 : f32
      %reduce_or3A_63 = arith.cmpf ogt, %reduce_or3A_61, %reduce_or3A_62 : f32
      %convert_element_type3A = arith.extui %reduce_or3A_63 : i1 to i32
      %cond3A = arith.constant 0 : i32
      %cond3A_64 = arith.cmpi ne, %convert_element_type3A, %cond3A : i32
      scf.if %cond3A_64 {
        %mul3A_65 = arith.constant 128 : i32
        %mul3A_66 = arith.muli %scan3A_44, %mul3A_65 : i32
        %get3A_67 = arith.index_cast %mul3A_66 : i32 to index
        %get3A_68 = arith.constant 0 : index
        %get3A_69 = vector.load %arg4[%get3A_67, %get3A_68] : memref<10112x512xf32, #tpu.memory_space<vmem>>, vector<128x512xf32>
        %mul3A_70 = arith.constant 128 : i32
        %mul3A_71 = arith.muli %scan3A_44, %mul3A_70 : i32
        %get3A_72 = arith.index_cast %mul3A_71 : i32 to index
        %get3A_73 = arith.constant 0 : index
        %get3A_74 = vector.load %arg5[%get3A_72, %get3A_73] : memref<10112x256xf32, #tpu.memory_space<vmem>>, vector<128x256xf32>
        %convert_element_type3A_75 = arith.extui %le3A_52 : vector<16x128xi1> to vector<16x128xi32>
        %convert_element_type3A_76 = arith.sitofp %convert_element_type3A_75 : vector<16x128xi32> to vector<16x128xf32>
        %broadcast_in_dim3A_77 = vector.shape_cast %get3A_17 : vector<16x512xf32> to vector<16x1x512xf32>
        %broadcast_in_dim3A_78 = vector.shape_cast %get3A_69 : vector<128x512xf32> to vector<1x128x512xf32>
        %add3A_79 = vector.broadcast %broadcast_in_dim3A_77 : vector<16x1x512xf32> to vector<16x128x512xf32>
        %add3A_80 = vector.broadcast %broadcast_in_dim3A_78 : vector<1x128x512xf32> to vector<16x128x512xf32>
        %add3A_81 = arith.addf %add3A_79, %add3A_80 : vector<16x128x512xf32>
        %integer_pow3A = arith.mulf %add3A_81, %add3A_81 : vector<16x128x512xf32>
        %integer_pow3A_82 = arith.mulf %add3A_81, %integer_pow3A : vector<16x128x512xf32>
        %mul3A_83 = arith.constant 4.471500e-02 : f32
        %mul3A_84 = vector.broadcast %mul3A_83 : f32 to vector<16x128x512xf32>
        %mul3A_85 = arith.mulf %mul3A_84, %integer_pow3A_82 : vector<16x128x512xf32>
        %add3A_86 = arith.addf %add3A_81, %mul3A_85 : vector<16x128x512xf32>
        %mul3A_87 = arith.constant 0.797884583 : f32
        %mul3A_88 = vector.broadcast %mul3A_87 : f32 to vector<16x128x512xf32>
        %mul3A_89 = arith.mulf %mul3A_88, %add3A_86 : vector<16x128x512xf32>
        %tanh3A = math.tanh %mul3A_89 : vector<16x128x512xf32>
        %add3A_90 = arith.constant 1.000000e+00 : f32
        %add3A_91 = vector.broadcast %add3A_90 : f32 to vector<16x128x512xf32>
        %add3A_92 = arith.addf %add3A_91, %tanh3A : vector<16x128x512xf32>
        %mul3A_93 = arith.constant 5.000000e-01 : f32
        %mul3A_94 = vector.broadcast %mul3A_93 : f32 to vector<16x128x512xf32>
        %mul3A_95 = arith.mulf %mul3A_94, %add3A_92 : vector<16x128x512xf32>
        %mul3A_96 = arith.mulf %add3A_81, %mul3A_95 : vector<16x128x512xf32>
        %reshape3A = vector.shape_cast %mul3A_96 : vector<16x128x512xf32> to vector<2048x512xf32>
        %dot_general3A_97 = arith.constant dense<0.000000e+00> : vector<2048x256xf32>
        %dot_general3A_98 = tpu.matmul %reshape3A, %get3A_20, %dot_general3A_97 {dimension_numbers = #tpu.dot_dimension_numbers<[1], [0], [0], [1], [0, 0, 1, 1], [], []>, transpose_lhs_hint = false} : vector<2048x512xf32>, vector<512x256xf32>, vector<2048x256xf32> -> vector<2048x256xf32>
        %reshape3A_99 = vector.shape_cast %dot_general3A_98 : vector<2048x256xf32> to vector<16x128x256xf32>
        %broadcast_in_dim3A_100 = vector.shape_cast %get3A_74 : vector<128x256xf32> to vector<1x128x256xf32>
        %mul3A_101 = vector.broadcast %broadcast_in_dim3A_100 : vector<1x128x256xf32> to vector<16x128x256xf32>
        %mul3A_102 = arith.mulf %reshape3A_99, %mul3A_101 : vector<16x128x256xf32>
        %broadcast_in_dim3A_103 = vector.shape_cast %convert_element_type3A_76 : vector<16x128xf32> to vector<16x128x1xf32>
        %mul3A_104 = vector.broadcast %broadcast_in_dim3A_103 : vector<16x128x1xf32> to vector<16x128x256xf32>
        %mul3A_105 = arith.mulf %mul3A_102, %mul3A_104 : vector<16x128x256xf32>
        %get3A_106 = arith.constant 0 : index
        %get3A_107 = arith.constant 0 : index
        %get3A_108 = vector.load %arg9[%get3A_106, %get3A_107] : memref<16x256xf32, #tpu.memory_space<vmem>>, vector<16x256xf32>
        %reduce_sum3A = arith.constant dense<0.000000e+00> : vector<16x256xf32>
        %reduce_sum3A_109 = vector.multi_reduction <add>, %mul3A_105, %reduce_sum3A [1] : vector<16x128x256xf32> to vector<16x256xf32>
        %add3A_110 = arith.addf %get3A_108, %reduce_sum3A_109 : vector<16x256xf32>
        %swap3A_111 = arith.constant 0 : index
        %swap3A_112 = arith.constant 0 : index
        %swap3A_113 = vector.load %arg9[%swap3A_111, %swap3A_112] : memref<16x256xf32, #tpu.memory_space<vmem>>, vector<16x256xf32>
        tpu.vector_store %arg9[%swap3A_111, %swap3A_112], %add3A_110 {strides = array<i32>} : memref<16x256xf32, #tpu.memory_space<vmem>>, vector<16x256xf32>,
        %get3A_114 = arith.constant 0 : index
        %get3A_115 = arith.constant 0 : index
        %get3A_116 = vector.load %arg10[%get3A_114, %get3A_115] : memref<16x256xf32, #tpu.memory_space<vmem>>, vector<16x256xf32>
        %dot_general3A_117 = arith.constant dense<0.000000e+00> : vector<16x256xf32>
        %dot_general3A_118 = tpu.matmul %convert_element_type3A_76, %get3A_74, %dot_general3A_117 {dimension_numbers = #tpu.dot_dimension_numbers<[1], [0], [0], [1], [0, 0, 1, 1], [], []>, transpose_lhs_hint = false} : vector<16x128xf32>, vector<128x256xf32>, vector<16x256xf32> -> vector<16x256xf32>
        %add3A_119 = arith.addf %get3A_116, %dot_general3A_118 : vector<16x256xf32>
        %swap3A_120 = arith.constant 0 : index
        %swap3A_121 = arith.constant 0 : index
        %swap3A_122 = vector.load %arg10[%swap3A_120, %swap3A_121] : memref<16x256xf32, #tpu.memory_space<vmem>>, vector<16x256xf32>
        tpu.vector_store %arg10[%swap3A_120, %swap3A_121], %add3A_119 {strides = array<i32>} : memref<16x256xf32, #tpu.memory_space<vmem>>, vector<16x256xf32>,
        %get3A_123 = arith.constant 0 : index
        %get3A_124 = arith.constant 0 : index
        %get3A_125 = vector.load %arg11[%get3A_123, %get3A_124] : memref<16x128xf32, #tpu.memory_space<vmem>>, vector<16x128xf32>
        %reduce_sum3A_126 = arith.constant dense<0.000000e+00> : vector<16xf32>
        %reduce_sum3A_127 = vector.multi_reduction <add>, %convert_element_type3A_76, %reduce_sum3A_126 [1] : vector<16x128xf32> to vector<16xf32>
        %broadcast_in_dim3A_128 = vector.shape_cast %reduce_sum3A_127 : vector<16xf32> to vector<16x1xf32>
        %add3A_129 = vector.broadcast %broadcast_in_dim3A_128 : vector<16x1xf32> to vector<16x128xf32>
        %add3A_130 = arith.addf %get3A_125, %add3A_129 : vector<16x128xf32>
        %swap3A_131 = arith.constant 0 : index
        %swap3A_132 = arith.constant 0 : index
        %swap3A_133 = vector.load %arg11[%swap3A_131, %swap3A_132] : memref<16x128xf32, #tpu.memory_space<vmem>>, vector<16x128xf32>
        tpu.vector_store %arg11[%swap3A_131, %swap3A_132], %add3A_130 {strides = array<i32>} : memref<16x128xf32, #tpu.memory_space<vmem>>, vector<16x128xf32>,
      } else {
      }
    }
    %scan3A_24 = arith.constant 79 : i32
    %get3A_25 = arith.constant 0 : index
    %get3A_26 = arith.constant 0 : index
    %get3A_27 = vector.load %arg11[%get3A_25, %get3A_26] : memref<16x128xf32, #tpu.memory_space<vmem>>, vector<16x1xf32>
    %max3A = arith.constant 1.000000e+00 : f32
    %max3A_28 = vector.broadcast %max3A : f32 to vector<16x1xf32>
    %max3A_29 = arith.maximumf %get3A_27, %max3A_28 : vector<16x1xf32>
    %get3A_30 = arith.constant 0 : index
    %get3A_31 = arith.constant 0 : index
    %get3A_32 = vector.load %arg9[%get3A_30, %get3A_31] : memref<16x256xf32, #tpu.memory_space<vmem>>, vector<16x256xf32>
    %get3A_33 = arith.constant 0 : index
    %get3A_34 = arith.constant 0 : index
    %get3A_35 = vector.load %arg7[%get3A_33, %get3A_34] : memref<8x256xf32, #tpu.memory_space<vmem>>, vector<1x256xf32>
    %get3A_36 = arith.constant 0 : index
    %get3A_37 = arith.constant 0 : index
    %get3A_38 = vector.load %arg10[%get3A_36, %get3A_37] : memref<16x256xf32, #tpu.memory_space<vmem>>, vector<16x256xf32>
    %mul3A = vector.broadcast %get3A_35 : vector<1x256xf32> to vector<16x256xf32>
    %mul3A_39 = arith.mulf %mul3A, %get3A_38 : vector<16x256xf32>
    %add3A = arith.addf %get3A_32, %mul3A_39 : vector<16x256xf32>
    %div3A = vector.broadcast %max3A_29 : vector<16x1xf32> to vector<16x256xf32>
    %div3A_40 = arith.divf %add3A, %div3A : vector<16x256xf32>
    %swap3A_41 = arith.constant 0 : index
    %swap3A_42 = arith.constant 0 : index
    %swap3A_43 = vector.load %arg8[%swap3A_41, %swap3A_42] : memref<16x256xf32, #tpu.memory_space<vmem>>, vector<16x256xf32>
    tpu.vector_store %arg8[%swap3A_41, %swap3A_42], %div3A_40 {strides = array<i32>} : memref<16x256xf32, #tpu.memory_space<vmem>>, vector<16x256xf32>,
    return
  }
  func.func @transform_0(%arg0: i32) -> (i32, i32) {
    %c0_i32 = arith.constant 0 : i32
    %c0_i32_0 = arith.constant 0 : i32
    return %arg0, %c0_i32 : i32, i32
  }
  func.func @transform_1(%arg0: i32) -> (i32, i32) {
    %c0_i32 = arith.constant 0 : i32
    %c0_i32_0 = arith.constant 0 : i32
    return %arg0, %c0_i32 : i32, i32
  }
  func.func @transform_2(%arg0: i32) -> (i32, i32) {
    %c0_i32 = arith.constant 0 : i32
    %c0_i32_0 = arith.constant 0 : i32
    %c0_i32_1 = arith.constant 0 : i32
    return %c0_i32, %c0_i32_0 : i32, i32
  }
  func.func @transform_3(%arg0: i32) -> (i32, i32) {
    %c0_i32 = arith.constant 0 : i32
    %c0_i32_0 = arith.constant 0 : i32
    %c0_i32_1 = arith.constant 0 : i32
    return %c0_i32, %c0_i32_0 : i32, i32
  }
  func.func @transform_4(%arg0: i32) -> (i32, i32) {
    %c0_i32 = arith.constant 0 : i32
    %c0_i32_0 = arith.constant 0 : i32
    %c0_i32_1 = arith.constant 0 : i32
    return %c0_i32, %c0_i32_0 : i32, i32
  }
  func.func @transform_5(%arg0: i32) -> (i32, i32) {
    %c0_i32 = arith.constant 0 : i32
    %c0_i32_0 = arith.constant 0 : i32
    %c0_i32_1 = arith.constant 0 : i32
    return %c0_i32, %c0_i32_0 : i32, i32
  }
  func.func @transform_6(%arg0: i32) -> (i32, i32) {
    %c0_i32 = arith.constant 0 : i32
    %c0_i32_0 = arith.constant 0 : i32
    %c0_i32_1 = arith.constant 0 : i32
    return %c0_i32, %c0_i32_0 : i32, i32
  }
  func.func @transform_7(%arg0: i32) -> (i32, i32) {
    %c0_i32 = arith.constant 0 : i32
    %c0_i32_0 = arith.constant 0 : i32
    return %arg0, %c0_i32 : i32, i32
  }
}

</mosaic_0001>

<sc_bundles>
// kernel: gather_offload_async_start.1
scs
__scs_entry_jumppad:
0x0: {  	(pc) =	sbr.rel $0x88, $3  }
0x1: {  	(tag) =	ssettag $0x0;
	lr =	simm.s32 $0x1  }
0x2: {  	[smem:$0x3F9A] =	sst lr;
	_ =	strace $0xD0000000  }
0x3: {  	_ = 	snop  }
0x4: {  	_ = 	snop  }
0x5: {  	_ = 	snop  }
0x6: {  	_ = 	snop  }
0x7: {  	_ = 	snop  }
__scs_overlays_trampoline_lowered:
0x8: {  	[smem:$0x3FA9] =	sst s0  }
0x9: {  	[smem:$0x3FAA] =	sst s1  }
0xa: {  	[smem:$0x3FAB] =	sst s2  }
0xb: {  	[smem:$0x3FAC] =	sst s3  }
0xc: {  	[smem:$0x3FAD] =	sst s4  }
0xd: {  	[smem:$0x3FAE] =	sst s5  }
0xe: {  	[smem:$0x3FAF] =	sst s6  }
0xf: {  	[smem:$0x3FB0] =	sst s7  }
0x10: {  	[smem:$0x3FB1] =	sst s8  }
0x11: {  	[smem:$0x3FB2] =	sst s9;
	s0 =	simm.s32 @!p0 $0x0  }
0x12: {  	s1 =	sld [smem:$0x3F98];
	s0 =	simm.s32 @p0 $0x1  }
0x13: {  	[smem:$0x3FB3] =	sst s0;
	s0 =	simm.s32 @!p1 $0x0  }
0x14: {  	s2 =	sld [smem:$0x3F97];
	s0 =	simm.s32 @p1 $0x1  }
0x15: {  	[smem:$0x3FB4] =	sst s0;
	s0 =	simm.s32 @!p2 $0x0  }
0x16: {  	s3 =	sld [smem:$0x3FDB];
	s0 =	simm.s32 @p2 $0x1  }
0x17: {  	s4 =	simm.s32 $0x1BF5;
	[smem:$0x3FB6] =	sst s0  }
0x18: {  	s0 =	sld [smem:$0x3F99];
	_ =	swait.ge [sflag:s4], $0x0  }
0x19: {  	s7 =	sld [smem:$0x3F9A]  }
0x1a: {  	s8 =	sadd.s32 $0xFFFFE003, lr  }
0x1b: {  	s9 =	sadd.s32 $0xFFFFFEF7, lr;
	s5 =	simm.s32 $0xFFFFFFFF;
	p2 =	slt.u32 s8, $0xFFFFF086  }
0x1c: {  	p1 =	slt.u32 s9, $0xF7A;
	s5 =	simm.s32 @!p2 $0x0  }
0x1d: {  	s5 =	simm.s32 @p1 $0x1;
	p0 =	seq.s32 s7, s2  }
0x1e: {  	s7 =	smul.u32 @!p0 $0xF7A, s2;
	p2 =	seq.s32 @!p0 s5, $0x0  }
0x1f: {  	s9 =	smul.u32 $0xF7A, s1;
	s8 =	simm.s32 @!p0 $0x1BF5;
	p2 =	por !p2, p0  }
0x20: {  	[sflag:s8] =	ssyncset.s32 @!p0 $0xFFFFF086;
	s6 =	sadd.s32 @!p0 s3, s7;
	s7 =	simm.s32 @!p0 $0x108  }
0x21: {  	s3 =	sadd.s32 s3, s9;
	s6 =	sadd.s32 @!p0 $0x88, s6;
	s7 =	simm.s32 @p2 $0x1082  }
0x22: {  	[simem:s7], [sflag:s8] =	dma.local @!p0 [hbm:s6], $0xF7A  }
0x23: {  	s9 =	sor.u32 $0xD0000000, s2;
	s6 =	simm.s32 $0x108;
	_ =	swait.ge @!p0 [sflag:s8], $0x0  }
0x24: {  	s3 =	sadd.s32 $0x88, s3;
	s6 =	simm.s32 @!p1 $0x1082;
	[sflag:s4] =	ssyncset.s32 $0xFFFFF086  }
0x25: {  	[simem:s6], [sflag:s4] =	dma.local [hbm:s3], $0xF7A  }
0x26: {  	[smem:$0x3F9A] =	sst s1;
	(tag) =	ssettag s2;
	_ =	strace s9  }
0x27: {  	s1 =	sld [smem:$0x3FAA]  }
0x28: {  	s2 =	sld [smem:$0x3FAB]  }
0x29: {  	s4 =	sld [smem:$0x3FAD]  }
0x2a: {  	p0 =	seq.s32 s5, $0x0;
	s5 =	sld [smem:$0x3FAE]  }
0x2b: {  	s6 =	sld [smem:$0x3FAF]  }
0x2c: {  	s7 =	sld [smem:$0x3FB0]  }
0x2d: {  	s3 =	simm.s32 $0x108;
	s8 =	sld [smem:$0x3FB1]  }
0x2e: {  	s3 =	simm.s32 @!p0 $0x1082;
	s9 =	sld [smem:$0x3FB2]  }
0x2f: {  	lr =	sadd.s32 s0, s3;
	s0 =	sld [smem:$0x3FA9]  }
0x30: {  	s3 =	sld [smem:$0x3FAC]  }
0x31: {  	[smem:$0x3FB5] =	sst s10  }
0x32: {  	s10 =	sld [smem:$0x3FB3];
	_ =	sdelay $0x3  }
0x33: {  	p0 =	seq.s32 s10, $0x1;
	s10 =	sld [smem:$0x3FB5];
	_ =	sdelay $0x3  }
0x34: {  	[smem:$0x3FB5] =	sst s10  }
0x35: {  	s10 =	sld [smem:$0x3FB4];
	_ =	sdelay $0x3  }
0x36: {  	p1 =	seq.s32 s10, $0x1;
	s10 =	sld [smem:$0x3FB5];
	_ =	sdelay $0x3  }
0x37: {  	[smem:$0x3FB5] =	sst s10  }
0x38: {  	s10 =	sld [smem:$0x3FB6]  }
0x39: {  	_ = 	snop;
	(pc) =	sbr.ind lr, $3  }
0x3a: {  	_ = 	snop  }
0x3b: {  	_ = 	snop  }
0x3c: {  	p2 =	seq.s32 s10, $0x1;
	s10 =	sld [smem:$0x3FB5]  }
0x3d: {  	_ =	shalt  }
0x3e: {  	_ =	shalt  }
0x3f: {  	_ =	shalt  }
0x40: {  	_ =	shalt  }
0x41: {  	_ =	shalt  }
0x42: {  	_ =	shalt  }
0x43: {  	_ =	shalt  }
0x44: {  	_ =	shalt  }
0x45: {  	_ =	shalt  }
0x46: {  	_ =	shalt  }
0x47: {  	_ =	shalt  }
0x48: {  	_ =	shalt  }
0x49: {  	_ =	shalt  }
0x4a: {  	_ =	shalt  }
0x4b: {  	_ =	shalt  }
0x4c: {  	_ =	shalt  }
0x4d: {  	_ =	shalt  }
0x4e: {  	_ =	shalt  }
0x4f: {  	_ =	shalt  }
0x50: {  	_ =	shalt  }
0x51: {  	_ =	shalt  }
0x52: {  	_ =	shalt  }
0x53: {  	_ =	shalt  }
0x54: {  	_ =	shalt  }
0x55: {  	_ =	shalt  }
0x56: {  	_ =	shalt  }
0x57: {  	_ =	shalt  }
0x58: {  	_ =	shalt  }
0x59: {  	_ =	shalt  }
0x5a: {  	_ =	shalt  }
0x5b: {  	_ =	shalt  }
0x5c: {  	_ =	shalt  }
0x5d: {  	_ =	shalt  }
0x5e: {  	_ =	shalt  }
0x5f: {  	_ =	shalt  }
0x60: {  	_ =	shalt  }
0x61: {  	_ =	shalt  }
0x62: {  	_ =	shalt  }
0x63: {  	_ =	shalt  }
0x64: {  	_ =	shalt  }
0x65: {  	_ =	shalt  }
0x66: {  	_ =	shalt  }
0x67: {  	_ =	shalt  }
0x68: {  	_ =	shalt  }
0x69: {  	_ =	shalt  }
0x6a: {  	_ =	shalt  }
0x6b: {  	_ =	shalt  }
0x6c: {  	_ =	shalt  }
0x6d: {  	_ =	shalt  }
0x6e: {  	_ =	shalt  }
0x6f: {  	_ =	shalt  }
0x70: {  	_ =	shalt  }
0x71: {  	_ =	shalt  }
0x72: {  	_ =	shalt  }
0x73: {  	_ =	shalt  }
0x74: {  	_ =	shalt  }
0x75: {  	_ =	shalt  }
0x76: {  	_ =	shalt  }
0x77: {  	_ =	shalt  }
0x78: {  	_ =	shalt  }
0x79: {  	_ =	shalt  }
0x7a: {  	_ =	shalt  }
0x7b: {  	_ =	shalt  }
0x7c: {  	_ =	shalt  }
0x7d: {  	_ =	shalt  }
0x7e: {  	_ =	shalt  }
0x7f: {  	_ =	shalt  }
0x80: {  	_ =	shalt  }
0x81: {  	_ =	shalt  }
0x82: {  	_ =	shalt  }
0x83: {  	_ =	shalt  }
0x84: {  	_ =	shalt  }
0x85: {  	_ =	shalt  }
0x86: {  	_ =	shalt  }
0x87: {  	_ =	shalt  }
.Lfunc_end0:
.L_simem_size_0:
called_computation.1_lowered:
.L_overlay_start_0:
0x88: {  	s0 =	sld [smem:$0x3FD9]  }
0x89: {  	s1 =	sld [smem:$0x3FFE];
	_ =	sdelay $0x3  }
0x8a: {  	s0 =	sadd.s32 s1, s0  }
0x8b: {  	[smem:$0x3FC1] =	sst s0  }
0x8c: {  	_ = 	snop  }
0x8d: {  	s0 =	sld [smem:$0x3FD0];
	(tm) =	ssettm $0x1  }
0x8e: {  	s16 =	sld [smem:$0x3FFB];
	_ =	sdelay $0x3  }
0x8f: {  	_ =	strace s16  }
0x90: {  	s1 =	sld [smem:$0x3FFC];
	_ =	sdelay $0x3  }
0x91: {  	_ =	strace s1  }
0x92: {  	s1 =	sld [smem:$0x3FFD];
	_ =	sdelay $0x3  }
0x93: {  	_ =	strace s1  }
0x94: {  	_ =	strace $0x8FFFFFFF  }
0x95: {  	s17 =	sld [smem:$0x3FDB];
	_ =	sdelay $0x1  }
0x96: {  	s2 =	simm.s32 $_scs_section_size  }
0x97: {  	s3 =	simm.s32 $_size__tile_overlayer_lowered;
	s4 =	simm.s32 $_tile_overlayer_lowered  }
0x98: {  	s20 =	simm.s32 $0x1BFF;
	s19 =	sshll.u32 s4, $0x1;
	s1 =	sadd.s32 s2, s17  }
0x99: {  	s5 =	simm.s32 $0x0;
	s18 =	sshll.u32 s3, $0x1;
	s3 =	sadd.s32 s19, s1  }
0x9a: {  	[timem:s5], [sflag:s20] =	dma.local [hbm:s3], s18  }
0x9b: {  	_ =	swait.ge [sflag:s20], s18  }
0x9c: {  	s2 =	ssub.s32 $0x0, s18;
	[sflag:s20] =	ssyncset.done $0x0  }
0x9d: {  	[sflag:s20] =	ssyncadd.s32 s2;
	_ =	sdelay $0x1  }
0x9e: {  	s21 =	simm.s32 $0x1B8B  }
0x9f: {  	_ =	swait.ge [sflag:s21], $0x1  }
0xa0: {  	[sflag:s21] =	ssyncset.done $0x0  }
0xa1: {  	s23 =	simm.s32 $0x1B8E;
	s22 =	sld [smem:$0x3FFE];
	[sflag:s21] =	ssyncadd.s32 $0xFFFFFFFF  }
0xa2: {  	s24 =	simm.s32 $execute0_lowered;
	[smem:$0x3FD2] =	sst s23  }
0xa3: {  	s3 =	sshll.u32 s24, $0x1;
	_ =	strace $0x80000046;
	[dreg:$0x1] =	wrdreg $0xFFFFFFFF  }
0xa4: {  	s25 =	simm.s32 $_size_execute0_lowered;
	s1 =	sadd.s32 s1, s3;
	[dreg:$0x0] =	wrdreg $0x0  }
0xa5: {  	s3 =	sshll.u32 s25, $0x1;
	[dreg:$0x2] =	wrdreg s1  }
0xa6: {  	[dreg:$0x3] =	wrdreg s3  }
0xa7: {  	[dreg:$0x4] =	wrdreg $0xC0  }
0xa8: {  	_ =	task [dreg:s5], $0x5FFFF  }
0xa9: {  	[dreg:$0x1] =	wrdreg $0xFFFFFFFF  }
0xaa: {  	[dreg:$0x0] =	wrdreg $0x60  }
0xab: {  	[dreg:$0x2] =	wrdreg s0  }
0xac: {  	[dreg:$0x3] =	wrdreg s22  }
0xad: {  	[dreg:$0x4] =	wrdreg $0xA  }
0xae: {  	_ =	task.clear_ibuf [dreg:s5], $0x5FFFF;
	_ =	strace $0x90000046  }
0xaf: {  	s26 =	simm.s32 $0xA;
	_ =	strace $0x80000048  }
0xb0: {  	_ =	swait.ge [sflag:s26], $0x1  }
0xb1: {  	[sflag:s26] =	ssyncadd.s32 $0xFFFFFFFF  }
0xb2: {  	_ =	strace $0x90000048  }
0xb3: {  	_ =	sfence  }
0xb4: {  	s28 =	sld [smem:$0x0];
	_ =	sdelay $0x1  }
0xb5: {  	s29 =	srdreg.scid  }
0xb6: {  	s30 =	sshll.u32 s29, $0xD;
	s31 =	sshrl.u32 s29, $0x2  }
0xb7: {  	s2 =	sand.u32 $0x4000, s30;
	s1 =	sand.u32 $0x1, s29;
	s0 =	sadd.s32 s31, s28  }
0xb8: {  	s1 =	sor.u32 s2, s1;
	s0 =	sshll.u32 s0, $0x11  }
0xb9: {  	s0 =	sor.u32 s0, s1  }
0xba: {  	s0 =	sadd.s32 $0x8F2B, s0  }
0xbb: {  	[sflag:s0] =	ssyncadd.remote.s32 $0x1  }
0xbc: {  	_ =	sfence.sel $0xFFFF  }
0xbd: {  	[dreg:$0x0] =	wrdreg $0xFFFFFFFF;
	(pc) =	sbr.abs _section_cstart, $3  }
0xbe: {  	[dreg:$0x1] =	wrdreg $0xFFFFFFFF  }
0xbf: {  	_ =	task.clear_ibuf [dreg:s5], $0x2FFFF;
	_ =	strace $0x9FFFFFFF  }
0xc0: {  	(tm) =	ssettm $0x7FFFFFFF  }
0xc1: {  	_ =	shalt  }
tec
execute0_lowered:
.L_overlay_start_1:
0x0: {  	(tag) =	ssettag $0x1  }
0x1: {  	s0 =	stileid.u32  }
0x2: {  	s1 =	smin.u32 s0, $0x9  }
0x3: {  	s1 =	sadd.s32 s0, s1  }
0x4: {  	s2 =	simm.s32 $0x320;
	p0 =	slt.u32 s0, $0x9;
	s1 =	smul.u32 $0x190, s1  }
0x5: {  	s2 =	simm.s32 @!p0 $0x190  }
0x6: {  	s2 =	sadd.s32 s2, s1  }
0x7: {  	s3 =	smin.u32 s2, $0x2710  }
0x8: {  	s7 =	ssub.s32 s3, s1  }
0x9: {  	p0 =	sgt.s32 s7, $0x0  }
0xa: {  	s7 =	simm.s32 @!p0 $0x0  }
0xb: {  	s31 =	sand.u32 $0xFFF0, s7  }
0xc: {  	s2 =	sshrl.u32 s31, $0x4  }
0xd: {  	s4 =	rddreg [dreg:$0x0];
	s2 =	smul.u32 $0xA3E, s2  }
0xe: {  	s9 =	rddreg [dreg:$0x1];
	s6 =	simm.s32 $0x1  }
0xf: {  	s11 =	simm.s32 $0x3;
	s13 =	simm.s32 $0x0;
	s8 =	sshrl.u32 s2, $0x10  }
0x10: {  	s12 =	simm.s32 $0x0;
	s5 =	sadd.s32 $0x400, s9;
	s10 =	smul.u32 $0x190, s8  }
.Ltmp0:
0x11: {  	s9 =	sadd.s32 $0x1A00, s9;
	s2 =	rddreg [dreg:$0x2];
	(pc) =	sbr.rel .LBB2_1-.Ltmp0, $4  }
0x12: {  	_ =	strace $0x80000047;
	p0 =	sne.s32 s7, s10;
	s10 =	simm.s32 $0x1  }
0x13: {  	[sflag:s6] =	ssyncpa.u1 $0x0;
	s7 =	simm.s32 $0x2;
	s10 =	simm.s32 @!p0 $0x0  }
0x14: {  	[sflag:s7] =	ssyncpa.u1 $0x0;
	p0 =	por $0x0, $0x0;
	s8 =	sadd.s32 s8, s10  }
0x15: {  	vm0 =	vmmov $0xff;
	vm1 =	vcmask $0x3F20;
	[sflag:s11] =	ssyncpa.u1 $0x0;
	s11 =	smov.u32 s1;
	s10 =	sadd.s32 $0x1, s8  }
.LBB2_6:
0x16: {  	[hbm:s17] =	stream.linear.scatter [tilespmem:s14], [sflag:$0x3], $0x400, $0x38;
	[tilespmem:$0x19320] =	vst v63  }
.LBB2_7:
0x17: {  	s13 =	sadd.s32 $0x190, s11  }
0x18: {  	s15 =	smov.u32 s1;
	p2 =	slt.s32 s13, s3  }
0x19: {  	s15 =	smov.u32 @p2 s13;
	p2 =	sne.s32 s12, s10  }
.Ltmp1:
0x1a: {  	p1 =	slt.u32 s12, $0x2;
	(pc) =	sbr.rel @!p2 .LBB2_8-.Ltmp1, $4  }
0x1b: {  	s14 =	simm.s32 @!p1 $0x3  }
0x1c: {  	s16 =	sadd.s32 $0x1, s12;
	_ =	swait.ge @!p1 [sflag:s14], $0xC800  }
0x1d: {  	p0 =	por !p0, !p0;
	s13 =	smov.u32 s11;
	[sflag:s14] =	ssyncset.done @!p1 $0x0  }
0x1e: {  	s12 =	smov.u32 s16;
	s11 =	smov.u32 s15;
	[sflag:s14] =	ssyncadd.s32 @!p1 $0xFFFF3800  }
.LBB2_1:
0x1f: {  	p1 =	sge.u32 s12, s8  }
0x20: {  	s14 =	sxor.u32 @!p1 $0xFFFFFFFF, s12  }
0x21: {  	s14 =	sand.u32 @!p1 $0x1, s14  }
0x22: {  	s14 =	smul.u32 @!p1 $0x640, s14  }
0x23: {  	s31 =	sadd.s32 $0xFFFFFFFF, s12;
	s15 =	sshrl.u32 @!p1 s11, $0x3  }
0x24: {  	s16 =	sand.u32 @!p1 $0x7, s11;
	s15 =	sadd.s32 @!p1 s5, s15;
	s14 =	sshrl.u32 @!p1 s14, $0x2  }
0x25: {  	[tilespmem:s14], [sflag:$0x2] =	stream.linear.gather @!p1 [hbm4b:s15+s16], $0x190, $0x38;
	[tilespmem:$0x19320] =	vst v63  }
0x26: {  	p1 =	sge.u32 s31, s8  }
.Ltmp2:
0x27: {  	_ = 	snop;
	(pc) =	sbr.rel @p1 .LBB2_7-.Ltmp2, $1  }
0x28: {  	_ =	sdelay $0x3  }
0x29: {  	s14 =	simm.s32 $0x1  }
0x2a: {  	s14 =	simm.s32 @!p0 $0x0  }
0x2b: {  	s15 =	smul.u32 $0x640, s14  }
0x2c: {  	_ =	swait.ge [sflag:s7], $0x190  }
0x2d: {  	[sflag:s7] =	ssyncset.done $0x0;
	s16 =	sshrl.u32 s15, $0x2  }
0x2e: {  	[sflag:s7] =	ssyncadd.s32 $0xFFFFFE70;
	s15 =	sadd.s32 $0x0, s16  }
0x2f: {  	v0 =	vld.msk [tilespmem:s15+$0x0 ss:$0x1], $0xffff;
	_ =	sdelay $0x4  }
0x30: {  	vm2 =	vgt.s32 v0, $0x0  }
0x31: {  	v0 =	vnsel vm2, $0x0, v0  }
0x32: {  	v0 =	vmin.u32 v0, $0x270F  }
0x33: {  	v0 =	vshll.u32 v0, $0x4  }
0x34: {  	s14 =	smul.u32 $0x32000, s14;
	_ =	sdelay $0x1  }
0x35: {  	s14 =	sshrl.u32 s14, $0x2  }
0x36: {  	s14 =	sor.u32 $0x320, s14  }
0x37: {  	[tilespmem:s14], [sflag:$0x1] =	stream.indirect_vreg.gather [hbm:s4], $0x80, v0, vm0, $0x38;
	[tilespmem:$0x19320] =	vst v63  }
0x38: {  	s17 =	sadd.s32 $0x10, s16;
	s15 =	sadd.s32 $0x400, s14  }
0x39: {  	[tilespmem:s15], [sflag:$0x1] =	stream.indirect_vreg.gather [hbm:s4], $0x80, v0, vm1, $0x38;
	[tilespmem:$0x19320] =	vst v63  }
0x3a: {  	s18 =	simm.s32 $0x80;
	v0 =	vld.msk [tilespmem:s17+$0x0 ss:$0x1], $0xffff;
	s17 =	smov.u32 s14  }
.LBB2_3:
0x3b: {  	p1 =	sne.s32 s18, $0x600;
	_ =	sdelay $0x4  }
0x3c: {  	vm2 =	vgt.s32 v0, $0x0  }
0x3d: {  	v0 =	vnsel vm2, $0x0, v0  }
0x3e: {  	v0 =	vmin.u32 v0, $0x270F  }
0x3f: {  	v0 =	vshll.u32 v0, $0x4;
	_ =	sdelay $0x3  }
.Ltmp3:
0x40: {  	s19 =	sshra.s32 s18, $0x2;
	s17 =	sadd.s32 $0x800, s17;
	(pc) =	sbr.rel @p1 .LBB2_3-.Ltmp3, $4  }
0x41: {  	[tilespmem:s17], [sflag:$0x1] =	stream.indirect_vreg.gather [hbm:s4], $0x80, v0, vm0, $0x38;
	[tilespmem:$0x19320] =	vst v63  }
0x42: {  	s19 =	sadd.s32 s19, s16;
	s20 =	sadd.s32 $0x400, s17  }
0x43: {  	[tilespmem:s20], [sflag:$0x1] =	stream.indirect_vreg.gather [hbm:s4], $0x80, v0, vm1, $0x38;
	[tilespmem:$0x19320] =	vst v63  }
0x44: {  	s18 =	sadd.s32 $0x40, s18;
	v0 =	vld.msk [tilespmem:s19+$0x0 ss:$0x1], $0xffff  }
0x45: {  	_ =	sdelay $0x3  }
0x46: {  	vm2 =	vgt.s32 v0, $0x0  }
0x47: {  	v0 =	vnsel vm2, $0x0, v0  }
0x48: {  	v0 =	vmin.u32 v0, $0x270F  }
0x49: {  	v0 =	vshll.u32 v0, $0x4;
	_ =	sdelay $0x3  }
0x4a: {  	s16 =	sadd.s32 $0x800, s17  }
0x4b: {  	[tilespmem:s16], [sflag:$0x1] =	stream.indirect_vreg.gather [hbm:s4], $0x80, v0, vm0, $0x38;
	[tilespmem:$0x19320] =	vst v63  }
0x4c: {  	s16 =	sadd.s32 $0x400, s16  }
0x4d: {  	[tilespmem:s16], [sflag:$0x1] =	stream.indirect_vreg.gather [hbm:s4], $0x80, v0, vm1, $0x38;
	[tilespmem:$0x19320] =	vst v63  }
0x4e: {  	s13 =	sshll.u32 s13, $0x4;
	_ =	swait.ge [sflag:s6], $0xC800  }
0x4f: {  	s13 =	sadd.s32 s13, s9;
	[sflag:s6] =	ssyncset.done $0x0  }
0x50: {  	s17 =	sadd.s32 $0x0, s13;
	s16 =	simm.s32 $0x80;
	[sflag:s6] =	ssyncadd.s32 $0xFFFF3800  }
.LBB2_5:
0x51: {  	[hbm:s17] =	stream.linear.scatter [tilespmem:s14], [sflag:$0x3], $0x400, $0x38;
	[tilespmem:$0x19320] =	vst v63  }
0x52: {  	s17 =	smov.u32 s16;
	s14 =	smov.u32 s15;
	p1 =	sne.s32 s16, $0x1880  }
.Ltmp4:
0x53: {  	s16 =	sadd.s32 $0x80, s16;
	(pc) =	sbr.rel @p1 .LBB2_5-.Ltmp4, $2  }
0x54: {  	_ =	sdelay $0x2  }
0x55: {  	s15 =	sadd.s32 $0x400, s15;
	s17 =	sadd.s32 s17, s13  }
.Ltmp5:
0x56: {  	_ = 	snop;
	(pc) =	sbr.rel .LBB2_6-.Ltmp5, $1  }
0x57: {  	_ =	sdelay $0x3  }
.LBB2_8:
0x58: {  	_ =	sfence.sel $0x180000  }
0x59: {  	s1 =	simm.s32 $0x2;
	[bflag:$0x0] =	sbarrier.arrive $0xFFFF  }
0x5a: {  	s30 =	simm.s32 $0x3;
	[sflag:s1] =	ssyncpa.u1 $0x1  }
0x5b: {  	s31 =	simm.s32 $0x1;
	[sflag:s30] =	ssyncpa.u1 $0x1  }
0x5c: {  	[sflag:s31] =	ssyncpa.u1 $0x1  }
0x5d: {  	p0 =	sne.s32 s0, $0x0;
	_ =	strace $0x90000047  }
0x5e: {  	s0 =	sadd.s32 @!p0 $0x100000, s2;
	[bflag:$0x2] =	sbarrier.arrive $0xFFFF  }
0x5f: {  	[sflag:s0] =	ssyncadd.tile.s32 @!p0 $0x1;
	_ =	shalt  }
.Lfunc_end2:
_tile_overlayer_lowered:
.L_overlay_start_2:
0x60: {  	(tag) =	ssettag $0x2  }
0x61: {  	s0 =	rddreg [dreg:$0x0];
	s2 =	stileid.u32  }
0x62: {  	s1 =	rddreg [dreg:$0x1];
	p0 =	sne.s32 s2, $0x0  }
0x63: {  	s3 =	rddreg [dreg:$0x2];
	[bflag:$0x3] =	sbarrier.arrive $0xFFFF;
	s2 =	simm.s32 @!p0 $0x1C01  }
0x64: {  	[timem:s3], [sflag:s2] =	dma.local @!p0 [hbm:s0], s1  }
0x65: {  	s0 =	simm.s32 @!p0 $0x1  }
0x66: {  	_ =	swait.ge @!p0 [sflag:s0], s1  }
0x67: {  	s1 =	ssub.s32 @!p0 $0x0, s1;
	[sflag:s0] =	ssyncset.done @!p0 $0x0  }
0x68: {  	[sflag:s0] =	ssyncadd.s32 @!p0 s1  }
0x69: {  	[bflag:$0x3] =	sbarrier.arrive $0xFFFF  }
0x6a: {  	_ =	shalt  }

// kernel: gather_offload_async_start.2
scs
__scs_entry_jumppad:
0x0: {  	(pc) =	sbr.rel $0x88, $3  }
0x1: {  	(tag) =	ssettag $0x0;
	lr =	simm.s32 $0x1  }
0x2: {  	[smem:$0x3F9A] =	sst lr;
	_ =	strace $0xD0000000  }
0x3: {  	_ = 	snop  }
0x4: {  	_ = 	snop  }
0x5: {  	_ = 	snop  }
0x6: {  	_ = 	snop  }
0x7: {  	_ = 	snop  }
__scs_overlays_trampoline_lowered:
0x8: {  	[smem:$0x3FA9] =	sst s0  }
0x9: {  	[smem:$0x3FAA] =	sst s1  }
0xa: {  	[smem:$0x3FAB] =	sst s2  }
0xb: {  	[smem:$0x3FAC] =	sst s3  }
0xc: {  	[smem:$0x3FAD] =	sst s4  }
0xd: {  	[smem:$0x3FAE] =	sst s5  }
0xe: {  	[smem:$0x3FAF] =	sst s6  }
0xf: {  	[smem:$0x3FB0] =	sst s7  }
0x10: {  	[smem:$0x3FB1] =	sst s8  }
0x11: {  	[smem:$0x3FB2] =	sst s9;
	s0 =	simm.s32 @!p0 $0x0  }
0x12: {  	s1 =	sld [smem:$0x3F98];
	s0 =	simm.s32 @p0 $0x1  }
0x13: {  	[smem:$0x3FB3] =	sst s0;
	s0 =	simm.s32 @!p1 $0x0  }
0x14: {  	s2 =	sld [smem:$0x3F97];
	s0 =	simm.s32 @p1 $0x1  }
0x15: {  	[smem:$0x3FB4] =	sst s0;
	s0 =	simm.s32 @!p2 $0x0  }
0x16: {  	s3 =	sld [smem:$0x3FDB];
	s0 =	simm.s32 @p2 $0x1  }
0x17: {  	s4 =	simm.s32 $0x1BF5;
	[smem:$0x3FB6] =	sst s0  }
0x18: {  	s0 =	sld [smem:$0x3F99];
	_ =	swait.ge [sflag:s4], $0x0  }
0x19: {  	s7 =	sld [smem:$0x3F9A]  }
0x1a: {  	s8 =	sadd.s32 $0xFFFFE003, lr  }
0x1b: {  	s9 =	sadd.s32 $0xFFFFFEF7, lr;
	s5 =	simm.s32 $0xFFFFFFFF;
	p2 =	slt.u32 s8, $0xFFFFF086  }
0x1c: {  	p1 =	slt.u32 s9, $0xF7A;
	s5 =	simm.s32 @!p2 $0x0  }
0x1d: {  	s5 =	simm.s32 @p1 $0x1;
	p0 =	seq.s32 s7, s2  }
0x1e: {  	s7 =	smul.u32 @!p0 $0xF7A, s2;
	p2 =	seq.s32 @!p0 s5, $0x0  }
0x1f: {  	s9 =	smul.u32 $0xF7A, s1;
	s8 =	simm.s32 @!p0 $0x1BF5;
	p2 =	por !p2, p0  }
0x20: {  	[sflag:s8] =	ssyncset.s32 @!p0 $0xFFFFF086;
	s6 =	sadd.s32 @!p0 s3, s7;
	s7 =	simm.s32 @!p0 $0x108  }
0x21: {  	s3 =	sadd.s32 s3, s9;
	s6 =	sadd.s32 @!p0 $0x88, s6;
	s7 =	simm.s32 @p2 $0x1082  }
0x22: {  	[simem:s7], [sflag:s8] =	dma.local @!p0 [hbm:s6], $0xF7A  }
0x23: {  	s9 =	sor.u32 $0xD0000000, s2;
	s6 =	simm.s32 $0x108;
	_ =	swait.ge @!p0 [sflag:s8], $0x0  }
0x24: {  	s3 =	sadd.s32 $0x88, s3;
	s6 =	simm.s32 @!p1 $0x1082;
	[sflag:s4] =	ssyncset.s32 $0xFFFFF086  }
0x25: {  	[simem:s6], [sflag:s4] =	dma.local [hbm:s3], $0xF7A  }
0x26: {  	[smem:$0x3F9A] =	sst s1;
	(tag) =	ssettag s2;
	_ =	strace s9  }
0x27: {  	s1 =	sld [smem:$0x3FAA]  }
0x28: {  	s2 =	sld [smem:$0x3FAB]  }
0x29: {  	s4 =	sld [smem:$0x3FAD]  }
0x2a: {  	p0 =	seq.s32 s5, $0x0;
	s5 =	sld [smem:$0x3FAE]  }
0x2b: {  	s6 =	sld [smem:$0x3FAF]  }
0x2c: {  	s7 =	sld [smem:$0x3FB0]  }
0x2d: {  	s3 =	simm.s32 $0x108;
	s8 =	sld [smem:$0x3FB1]  }
0x2e: {  	s3 =	simm.s32 @!p0 $0x1082;
	s9 =	sld [smem:$0x3FB2]  }
0x2f: {  	lr =	sadd.s32 s0, s3;
	s0 =	sld [smem:$0x3FA9]  }
0x30: {  	s3 =	sld [smem:$0x3FAC]  }
0x31: {  	[smem:$0x3FB5] =	sst s10  }
0x32: {  	s10 =	sld [smem:$0x3FB3];
	_ =	sdelay $0x3  }
0x33: {  	p0 =	seq.s32 s10, $0x1;
	s10 =	sld [smem:$0x3FB5];
	_ =	sdelay $0x3  }
0x34: {  	[smem:$0x3FB5] =	sst s10  }
0x35: {  	s10 =	sld [smem:$0x3FB4];
	_ =	sdelay $0x3  }
0x36: {  	p1 =	seq.s32 s10, $0x1;
	s10 =	sld [smem:$0x3FB5];
	_ =	sdelay $0x3  }
0x37: {  	[smem:$0x3FB5] =	sst s10  }
0x38: {  	s10 =	sld [smem:$0x3FB6]  }
0x39: {  	_ = 	snop;
	(pc) =	sbr.ind lr, $3  }
0x3a: {  	_ = 	snop  }
0x3b: {  	_ = 	snop  }
0x3c: {  	p2 =	seq.s32 s10, $0x1;
	s10 =	sld [smem:$0x3FB5]  }
0x3d: {  	_ =	shalt  }
0x3e: {  	_ =	shalt  }
0x3f: {  	_ =	shalt  }
0x40: {  	_ =	shalt  }
0x41: {  	_ =	shalt  }
0x42: {  	_ =	shalt  }
0x43: {  	_ =	shalt  }
0x44: {  	_ =	shalt  }
0x45: {  	_ =	shalt  }
0x46: {  	_ =	shalt  }
0x47: {  	_ =	shalt  }
0x48: {  	_ =	shalt  }
0x49: {  	_ =	shalt  }
0x4a: {  	_ =	shalt  }
0x4b: {  	_ =	shalt  }
0x4c: {  	_ =	shalt  }
0x4d: {  	_ =	shalt  }
0x4e: {  	_ =	shalt  }
0x4f: {  	_ =	shalt  }
0x50: {  	_ =	shalt  }
0x51: {  	_ =	shalt  }
0x52: {  	_ =	shalt  }
0x53: {  	_ =	shalt  }
0x54: {  	_ =	shalt  }
0x55: {  	_ =	shalt  }
0x56: {  	_ =	shalt  }
0x57: {  	_ =	shalt  }
0x58: {  	_ =	shalt  }
0x59: {  	_ =	shalt  }
0x5a: {  	_ =	shalt  }
0x5b: {  	_ =	shalt  }
0x5c: {  	_ =	shalt  }
0x5d: {  	_ =	shalt  }
0x5e: {  	_ =	shalt  }
0x5f: {  	_ =	shalt  }
0x60: {  	_ =	shalt  }
0x61: {  	_ =	shalt  }
0x62: {  	_ =	shalt  }
0x63: {  	_ =	shalt  }
0x64: {  	_ =	shalt  }
0x65: {  	_ =	shalt  }
0x66: {  	_ =	shalt  }
0x67: {  	_ =	shalt  }
0x68: {  	_ =	shalt  }
0x69: {  	_ =	shalt  }
0x6a: {  	_ =	shalt  }
0x6b: {  	_ =	shalt  }
0x6c: {  	_ =	shalt  }
0x6d: {  	_ =	shalt  }
0x6e: {  	_ =	shalt  }
0x6f: {  	_ =	shalt  }
0x70: {  	_ =	shalt  }
0x71: {  	_ =	shalt  }
0x72: {  	_ =	shalt  }
0x73: {  	_ =	shalt  }
0x74: {  	_ =	shalt  }
0x75: {  	_ =	shalt  }
0x76: {  	_ =	shalt  }
0x77: {  	_ =	shalt  }
0x78: {  	_ =	shalt  }
0x79: {  	_ =	shalt  }
0x7a: {  	_ =	shalt  }
0x7b: {  	_ =	shalt  }
0x7c: {  	_ =	shalt  }
0x7d: {  	_ =	shalt  }
0x7e: {  	_ =	shalt  }
0x7f: {  	_ =	shalt  }
0x80: {  	_ =	shalt  }
0x81: {  	_ =	shalt  }
0x82: {  	_ =	shalt  }
0x83: {  	_ =	shalt  }
0x84: {  	_ =	shalt  }
0x85: {  	_ =	shalt  }
0x86: {  	_ =	shalt  }
0x87: {  	_ =	shalt  }
.Lfunc_end0:
.L_simem_size_0:
called_computation.2_lowered:
.L_overlay_start_0:
0x88: {  	s0 =	sld [smem:$0x3FD9]  }
0x89: {  	s1 =	sld [smem:$0x3FFE];
	_ =	sdelay $0x3  }
0x8a: {  	s0 =	sadd.s32 s1, s0  }
0x8b: {  	[smem:$0x3FC1] =	sst s0  }
0x8c: {  	_ = 	snop  }
0x8d: {  	s0 =	sld [smem:$0x3FC7]  }
0x8e: {  	s16 =	sld [smem:$0x3FD0];
	(tm) =	ssettm $0x1  }
0x8f: {  	s2 =	sld [smem:$0x3FFB];
	_ =	sdelay $0x3  }
0x90: {  	_ =	strace s2  }
0x91: {  	s2 =	sld [smem:$0x3FFC];
	_ =	sdelay $0x3  }
0x92: {  	_ =	strace s2  }
0x93: {  	s2 =	sld [smem:$0x3FFD];
	_ =	sdelay $0x3  }
0x94: {  	_ =	strace s2  }
0x95: {  	_ =	strace $0x8FFFFFFF  }
0x96: {  	s17 =	sld [smem:$0x3FDB];
	_ =	sdelay $0x1  }
0x97: {  	s3 =	simm.s32 $_scs_section_size  }
0x98: {  	s4 =	simm.s32 $_size__tile_overlayer_lowered;
	s5 =	simm.s32 $_tile_overlayer_lowered  }
0x99: {  	s20 =	simm.s32 $0x1BFF;
	s19 =	sshll.u32 s5, $0x1;
	s2 =	sadd.s32 s3, s17  }
0x9a: {  	s6 =	simm.s32 $0x0;
	s18 =	sshll.u32 s4, $0x1;
	s4 =	sadd.s32 s19, s2  }
0x9b: {  	[timem:s6], [sflag:s20] =	dma.local [hbm:s4], s18  }
0x9c: {  	_ =	swait.ge [sflag:s20], s18  }
0x9d: {  	s3 =	ssub.s32 $0x0, s18;
	[sflag:s20] =	ssyncset.done $0x0  }
0x9e: {  	[sflag:s20] =	ssyncadd.s32 s3;
	_ =	sdelay $0x1  }
0x9f: {  	s21 =	simm.s32 $0x1B8B  }
0xa0: {  	_ =	swait.ge [sflag:s21], $0x1  }
0xa1: {  	[sflag:s21] =	ssyncset.done $0x0  }
0xa2: {  	s23 =	simm.s32 $0x1B8E;
	s22 =	sld [smem:$0x3FFE];
	[sflag:s21] =	ssyncadd.s32 $0xFFFFFFFF  }
0xa3: {  	s24 =	simm.s32 $execute0_lowered;
	[smem:$0x3FD2] =	sst s23  }
0xa4: {  	s4 =	sshll.u32 s24, $0x1;
	_ =	strace $0x8000004C;
	[dreg:$0x1] =	wrdreg $0xFFFFFFFF  }
0xa5: {  	s25 =	simm.s32 $_size_execute0_lowered;
	s2 =	sadd.s32 s2, s4;
	[dreg:$0x0] =	wrdreg $0x0  }
0xa6: {  	s4 =	sshll.u32 s25, $0x1;
	[dreg:$0x2] =	wrdreg s2  }
0xa7: {  	[dreg:$0x3] =	wrdreg s4  }
0xa8: {  	[dreg:$0x4] =	wrdreg $0xC0  }
0xa9: {  	_ =	task [dreg:s6], $0x5FFFF  }
0xaa: {  	[dreg:$0x1] =	wrdreg $0xFFFFFFFF  }
0xab: {  	[dreg:$0x0] =	wrdreg $0x60  }
0xac: {  	[dreg:$0x2] =	wrdreg s0  }
0xad: {  	[dreg:$0x3] =	wrdreg s22  }
0xae: {  	[dreg:$0x4] =	wrdreg s16  }
0xaf: {  	[dreg:$0x5] =	wrdreg $0xA  }
0xb0: {  	_ =	task.clear_ibuf [dreg:s6], $0x6FFFF;
	_ =	strace $0x9000004C  }
0xb1: {  	s26 =	simm.s32 $0xA;
	_ =	strace $0x8000004E  }
0xb2: {  	_ =	swait.ge [sflag:s26], $0x1  }
0xb3: {  	[sflag:s26] =	ssyncadd.s32 $0xFFFFFFFF  }
0xb4: {  	_ =	strace $0x9000004E  }
0xb5: {  	_ =	sfence  }
0xb6: {  	s28 =	sld [smem:$0x0];
	_ =	sdelay $0x1  }
0xb7: {  	s29 =	srdreg.scid  }
0xb8: {  	s30 =	sshll.u32 s29, $0xD;
	s31 =	sshrl.u32 s29, $0x2  }
0xb9: {  	s1 =	sand.u32 $0x1, s29;
	s2 =	sand.u32 $0x4000, s30;
	s0 =	sadd.s32 s31, s28  }
0xba: {  	s1 =	sor.u32 s2, s1;
	s0 =	sshll.u32 s0, $0x11  }
0xbb: {  	s0 =	sor.u32 s0, s1  }
0xbc: {  	s0 =	sadd.s32 $0x8F2B, s0  }
0xbd: {  	[sflag:s0] =	ssyncadd.remote.s32 $0x1  }
0xbe: {  	_ =	sfence.sel $0xFFFF  }
0xbf: {  	[dreg:$0x0] =	wrdreg $0xFFFFFFFF;
	(pc) =	sbr.abs _section_cstart, $3  }
0xc0: {  	[dreg:$0x1] =	wrdreg $0xFFFFFFFF  }
0xc1: {  	_ =	task.clear_ibuf [dreg:s6], $0x2FFFF;
	_ =	strace $0x9FFFFFFF  }
0xc2: {  	(tm) =	ssettm $0x7FFFFFFF  }
0xc3: {  	_ =	shalt  }
tec
execute0_lowered:
.L_overlay_start_1:
0x0: {  	(tag) =	ssettag $0x1  }
0x1: {  	s0 =	stileid.u32  }
0x2: {  	s1 =	smul.u32 $0x3, s0  }
0x3: {  	s2 =	smin.u32 s0, $0x2  }
0x4: {  	s1 =	sadd.s32 s2, s1  }
0x5: {  	p0 =	slt.u32 s0, $0x2;
	s2 =	simm.s32 $0x320;
	s1 =	smul.u32 $0xC8, s1  }
0x6: {  	s2 =	simm.s32 @!p0 $0x258  }
0x7: {  	s2 =	sadd.s32 s2, s1  }
0x8: {  	s3 =	smin.u32 s2, $0x2710  }
0x9: {  	s7 =	ssub.s32 s3, s1  }
0xa: {  	p0 =	sgt.s32 s7, $0x0  }
0xb: {  	s7 =	simm.s32 @!p0 $0x0  }
0xc: {  	s31 =	sand.u32 $0xFFF8, s7  }
0xd: {  	s4 =	rddreg [dreg:$0x0];
	s2 =	sshrl.u32 s31, $0x3  }
0xe: {  	s9 =	rddreg [dreg:$0x1];
	s2 =	smul.u32 $0x147B, s2  }
0xf: {  	s5 =	rddreg [dreg:$0x2]  }
0x10: {  	s6 =	simm.s32 $0x1;
	s11 =	simm.s32 $0x3;
	s8 =	sshrl.u32 s2, $0x11  }
0x11: {  	s13 =	simm.s32 $0x0;
	s12 =	simm.s32 $0x0;
	s10 =	smul.u32 $0xC8, s8  }
.Ltmp0:
0x12: {  	s9 =	sadd.s32 $0x400, s9;
	s2 =	rddreg [dreg:$0x3];
	(pc) =	sbr.rel .LBB2_1-.Ltmp0, $4  }
0x13: {  	_ =	strace $0x8000004D;
	p0 =	sne.s32 s7, s10;
	s10 =	simm.s32 $0x1  }
0x14: {  	[sflag:s6] =	ssyncpa.u1 $0x0;
	s7 =	simm.s32 $0x2;
	s10 =	simm.s32 @!p0 $0x0  }
0x15: {  	[sflag:s7] =	ssyncpa.u1 $0x0;
	p0 =	por $0x0, $0x0;
	s8 =	sadd.s32 s8, s10  }
0x16: {  	vm0 =	vmmov $0xff;
	vm1 =	vcmask $0x3F20;
	[sflag:s11] =	ssyncpa.u1 $0x0;
	s11 =	smov.u32 s1;
	s10 =	sadd.s32 $0x1, s8  }
.LBB2_10:
0x17: {  	[hbm:s17] =	stream.linear.scatter [tilespmem:s14], [sflag:$0x3], $0x800, $0x38;
	[tilespmem:$0x19190] =	vst v63  }
.LBB2_11:
0x18: {  	s13 =	sadd.s32 $0xC8, s11  }
0x19: {  	s15 =	smov.u32 s1;
	p2 =	slt.s32 s13, s3  }
0x1a: {  	s15 =	smov.u32 @p2 s13;
	p2 =	sne.s32 s12, s10  }
.Ltmp1:
0x1b: {  	p1 =	slt.u32 s12, $0x2;
	(pc) =	sbr.rel @!p2 .LBB2_12-.Ltmp1, $4  }
0x1c: {  	s14 =	simm.s32 @!p1 $0x3  }
0x1d: {  	s16 =	sadd.s32 $0x1, s12;
	_ =	swait.ge @!p1 [sflag:s14], $0xC800  }
0x1e: {  	p0 =	por !p0, !p0;
	s13 =	smov.u32 s11;
	[sflag:s14] =	ssyncset.done @!p1 $0x0  }
0x1f: {  	s12 =	smov.u32 s16;
	s11 =	smov.u32 s15;
	[sflag:s14] =	ssyncadd.s32 @!p1 $0xFFFF3800  }
.LBB2_1:
0x20: {  	p1 =	sge.u32 s12, s8  }
0x21: {  	s14 =	sxor.u32 @!p1 $0xFFFFFFFF, s12  }
0x22: {  	s14 =	sand.u32 @!p1 $0x1, s14  }
0x23: {  	s14 =	smul.u32 @!p1 $0x320, s14  }
0x24: {  	s31 =	sadd.s32 $0xFFFFFFFF, s12;
	s15 =	sshrl.u32 @!p1 s11, $0x3  }
0x25: {  	s16 =	sand.u32 @!p1 $0x7, s11;
	s15 =	sadd.s32 @!p1 s9, s15;
	s14 =	sshrl.u32 @!p1 s14, $0x2  }
0x26: {  	[tilespmem:s14], [sflag:$0x2] =	stream.linear.gather @!p1 [hbm4b:s15+s16], $0xC8, $0x38;
	[tilespmem:$0x19190] =	vst v63  }
0x27: {  	p1 =	sge.u32 s31, s8  }
.Ltmp2:
0x28: {  	_ = 	snop;
	(pc) =	sbr.rel @p1 .LBB2_11-.Ltmp2, $1  }
0x29: {  	_ =	sdelay $0x3  }
0x2a: {  	s15 =	sand.u32 $0x1, s12  }
0x2b: {  	s14 =	simm.s32 $0x1;
	s16 =	smul.u32 $0x32000, s15  }
0x2c: {  	_ =	swait.ge [sflag:s7], $0xC8;
	s14 =	simm.s32 @!p0 $0x0;
	s15 =	smul.u32 $0x320, s15  }
0x2d: {  	[sflag:s7] =	ssyncset.done $0x0;
	s14 =	smul.u32 $0x32000, s14  }
0x2e: {  	[sflag:s7] =	ssyncadd.s32 $0xFFFFFF38  }
0x2f: {  	s17 =	sshrl.u32 s16, $0x2;
	s16 =	sshrl.u32 s15, $0x2;
	s14 =	sshrl.u32 s14, $0x2  }
0x30: {  	s15 =	sor.u32 $0x190, s17;
	s17 =	simm.s32 $0x0;
	s14 =	sor.u32 $0x190, s14  }
.LBB2_3:
0x31: {  	s18 =	sshll.u32 s17, $0x4  }
0x32: {  	s18 =	sand.u32 $0x3FFFFFF0, s18  }
0x33: {  	s18 =	sadd.s32 s18, s16  }
0x34: {  	v0 =	vld.msk [tilespmem:s18+$0x0 ss:$0x1], $0xffff;
	_ =	sdelay $0x4  }
0x35: {  	vm2 =	vgt.s32 v0, $0x0  }
0x36: {  	v0 =	vnsel vm2, $0x0, v0  }
0x37: {  	v0 =	vmin.u32 v0, $0x270F  }
0x38: {  	s31 =	sshll.u32 s17, $0xC;
	v1 =	vshll.u32 v0, $0x5;
	v0 =	vshll.u32 v0, $0x4  }
0x39: {  	s18 =	sand.u32 $0x3FFFF000, s31;
	v1 =	vand.u32 $0x7FF00, v1;
	v0 =	vand.u32 $0x70, v0  }
0x3a: {  	p1 =	por $0x1, $0x1;
	s19 =	simm.s32 $0x0;
	s18 =	sadd.s32 s18, s15;
	v0 =	vor.u32 v0, v1  }
.LBB2_4:
0x3b: {  	_ =	sdelay $0x1  }
0x3c: {  	s19 =	sshra.s32 s19, $0x2;
	p2 =	por p1, p1  }
.Ltmp3:
0x3d: {  	s19 =	sadd.s32 s19, s18;
	(pc) =	sbr.rel @p2 .LBB2_4-.Ltmp3, $4  }
0x3e: {  	[tilespmem:s19], [sflag:$0x1] =	stream.indirect_vreg.gather [hbm:s4], $0x80, v0, vm0, $0x38;
	[tilespmem:$0x19190] =	vst v63  }
0x3f: {  	s19 =	sadd.s32 $0x800, s19  }
0x40: {  	[tilespmem:s19], [sflag:$0x1] =	stream.indirect_vreg.gather [hbm:s4], $0x80, v0, vm1, $0x38;
	[tilespmem:$0x19190] =	vst v63  }
0x41: {  	p1 =	por $0x0, $0x0;
	v0 =	vadd.s32 $0x80, v0;
	s19 =	simm.s32 $0x1000  }
0x42: {  	s17 =	sadd.s32 $0x1, s17  }
0x43: {  	p1 =	sne.s32 s17, $0xC  }
.Ltmp4:
0x44: {  	_ = 	snop;
	(pc) =	sbr.rel @p1 .LBB2_3-.Ltmp4, $1  }
0x45: {  	_ =	sdelay $0x3  }
0x46: {  	v0 =	vld.msk [tilespmem:s16+$0xC0 ss:$0x1], $0xff;
	_ =	sdelay $0x4  }
0x47: {  	vm2 =	vgt.s32 v0, $0x0  }
0x48: {  	v0 =	vnsel vm2, $0x0, v0  }
0x49: {  	v0 =	vmin.u32 v0, $0x270F  }
0x4a: {  	v1 =	vshll.u32 v0, $0x5;
	v0 =	vshll.u32 v0, $0x4  }
0x4b: {  	v1 =	vand.u32 $0x7FF00, v1;
	v0 =	vand.u32 $0x70, v0  }
0x4c: {  	s16 =	simm.s32 $0x0;
	p1 =	por $0x1, $0x1;
	v0 =	vor.u32 v0, v1  }
.LBB2_7:
0x4d: {  	p2 =	por p1, p1  }
.Ltmp5:
0x4e: {  	s16 =	sshra.s32 s16, $0x2;
	(pc) =	sbr.rel @p2 .LBB2_7-.Ltmp5, $4  }
0x4f: {  	s16 =	sadd.s32 s16, s15  }
0x50: {  	s16 =	sadd.s32 $0xC000, s16  }
0x51: {  	[tilespmem:s16], [sflag:$0x1] =	stream.indirect_vreg.gather [hbm:s4], $0x80, v0, vm0, $0x38;
	[tilespmem:$0x19190] =	vst v63  }
0x52: {  	p1 =	por $0x0, $0x0;
	v0 =	vadd.s32 $0x80, v0;
	s16 =	simm.s32 $0x1000  }
0x53: {  	s15 =	sshll.u32 s13, $0x5  }
0x54: {  	s31 =	sshll.u32 s13, $0x4;
	s15 =	sand.u32 $0xFFFFFF00, s15  }
0x55: {  	_ =	swait.ge [sflag:s6], $0xC800;
	s13 =	sand.u32 $0x70, s31;
	s15 =	sadd.s32 s15, s5  }
0x56: {  	s16 =	sadd.s32 $0x800, s14;
	[sflag:s6] =	ssyncset.done $0x0;
	s13 =	sadd.s32 s13, s15  }
0x57: {  	[sflag:s6] =	ssyncadd.s32 $0xFFFF3800;
	s15 =	simm.s32 $0x100;
	s17 =	sadd.s32 $0x0, s13  }
.LBB2_9:
0x58: {  	[hbm:s17] =	stream.linear.scatter [tilespmem:s14], [sflag:$0x3], $0x800, $0x38;
	[tilespmem:$0x19190] =	vst v63  }
0x59: {  	s17 =	smov.u32 s15;
	s14 =	smov.u32 s16;
	p1 =	sne.s32 s15, $0x1800  }
.Ltmp6:
0x5a: {  	s15 =	sadd.s32 $0x100, s15;
	(pc) =	sbr.rel @p1 .LBB2_9-.Ltmp6, $2  }
0x5b: {  	_ =	sdelay $0x2  }
0x5c: {  	s16 =	sadd.s32 $0x800, s16;
	s17 =	sadd.s32 s17, s13  }
.Ltmp7:
0x5d: {  	_ = 	snop;
	(pc) =	sbr.rel .LBB2_10-.Ltmp7, $1  }
0x5e: {  	_ =	sdelay $0x3  }
.LBB2_12:
0x5f: {  	_ =	sfence.sel $0x180000  }
0x60: {  	s1 =	simm.s32 $0x2;
	[bflag:$0x0] =	sbarrier.arrive $0xFFFF  }
0x61: {  	s30 =	simm.s32 $0x3;
	[sflag:s1] =	ssyncpa.u1 $0x1  }
0x62: {  	s31 =	simm.s32 $0x1;
	[sflag:s30] =	ssyncpa.u1 $0x1  }
0x63: {  	[sflag:s31] =	ssyncpa.u1 $0x1  }
0x64: {  	p0 =	sne.s32 s0, $0x0;
	_ =	strace $0x9000004D  }
0x65: {  	s0 =	sadd.s32 @!p0 $0x100000, s2;
	[bflag:$0x2] =	sbarrier.arrive $0xFFFF  }
0x66: {  	[sflag:s0] =	ssyncadd.tile.s32 @!p0 $0x1;
	_ =	shalt  }
.Lfunc_end2:
_tile_overlayer_lowered:
.L_overlay_start_2:
0x67: {  	(tag) =	ssettag $0x2  }
0x68: {  	s0 =	rddreg [dreg:$0x0];
	s2 =	stileid.u32  }
0x69: {  	s1 =	rddreg [dreg:$0x1];
	p0 =	sne.s32 s2, $0x0  }
0x6a: {  	s3 =	rddreg [dreg:$0x2];
	[bflag:$0x3] =	sbarrier.arrive $0xFFFF;
	s2 =	simm.s32 @!p0 $0x1C01  }
0x6b: {  	[timem:s3], [sflag:s2] =	dma.local @!p0 [hbm:s0], s1  }
0x6c: {  	s0 =	simm.s32 @!p0 $0x1  }
0x6d: {  	_ =	swait.ge @!p0 [sflag:s0], s1  }
0x6e: {  	s1 =	ssub.s32 @!p0 $0x0, s1;
	[sflag:s0] =	ssyncset.done @!p0 $0x0  }
0x6f: {  	[sflag:s0] =	ssyncadd.s32 @!p0 s1  }
0x70: {  	[bflag:$0x3] =	sbarrier.arrive $0xFFFF  }
0x71: {  	_ =	shalt  }

// kernel: gather_offload_async_start.3
scs
__scs_entry_jumppad:
0x0: {  	(pc) =	sbr.rel $0x88, $3  }
0x1: {  	(tag) =	ssettag $0x0;
	lr =	simm.s32 $0x1  }
0x2: {  	[smem:$0x3F9A] =	sst lr;
	_ =	strace $0xD0000000  }
0x3: {  	_ = 	snop  }
0x4: {  	_ = 	snop  }
0x5: {  	_ = 	snop  }
0x6: {  	_ = 	snop  }
0x7: {  	_ = 	snop  }
__scs_overlays_trampoline_lowered:
0x8: {  	[smem:$0x3FA9] =	sst s0  }
0x9: {  	[smem:$0x3FAA] =	sst s1  }
0xa: {  	[smem:$0x3FAB] =	sst s2  }
0xb: {  	[smem:$0x3FAC] =	sst s3  }
0xc: {  	[smem:$0x3FAD] =	sst s4  }
0xd: {  	[smem:$0x3FAE] =	sst s5  }
0xe: {  	[smem:$0x3FAF] =	sst s6  }
0xf: {  	[smem:$0x3FB0] =	sst s7  }
0x10: {  	[smem:$0x3FB1] =	sst s8  }
0x11: {  	[smem:$0x3FB2] =	sst s9;
	s0 =	simm.s32 @!p0 $0x0  }
0x12: {  	s1 =	sld [smem:$0x3F98];
	s0 =	simm.s32 @p0 $0x1  }
0x13: {  	[smem:$0x3FB3] =	sst s0;
	s0 =	simm.s32 @!p1 $0x0  }
0x14: {  	s2 =	sld [smem:$0x3F97];
	s0 =	simm.s32 @p1 $0x1  }
0x15: {  	[smem:$0x3FB4] =	sst s0;
	s0 =	simm.s32 @!p2 $0x0  }
0x16: {  	s3 =	sld [smem:$0x3FDB];
	s0 =	simm.s32 @p2 $0x1  }
0x17: {  	s4 =	simm.s32 $0x1BF5;
	[smem:$0x3FB6] =	sst s0  }
0x18: {  	s0 =	sld [smem:$0x3F99];
	_ =	swait.ge [sflag:s4], $0x0  }
0x19: {  	s7 =	sld [smem:$0x3F9A]  }
0x1a: {  	s8 =	sadd.s32 $0xFFFFE003, lr  }
0x1b: {  	s9 =	sadd.s32 $0xFFFFFEF7, lr;
	s5 =	simm.s32 $0xFFFFFFFF;
	p2 =	slt.u32 s8, $0xFFFFF086  }
0x1c: {  	p1 =	slt.u32 s9, $0xF7A;
	s5 =	simm.s32 @!p2 $0x0  }
0x1d: {  	s5 =	simm.s32 @p1 $0x1;
	p0 =	seq.s32 s7, s2  }
0x1e: {  	s7 =	smul.u32 @!p0 $0xF7A, s2;
	p2 =	seq.s32 @!p0 s5, $0x0  }
0x1f: {  	s9 =	smul.u32 $0xF7A, s1;
	s8 =	simm.s32 @!p0 $0x1BF5;
	p2 =	por !p2, p0  }
0x20: {  	[sflag:s8] =	ssyncset.s32 @!p0 $0xFFFFF086;
	s6 =	sadd.s32 @!p0 s3, s7;
	s7 =	simm.s32 @!p0 $0x108  }
0x21: {  	s3 =	sadd.s32 s3, s9;
	s6 =	sadd.s32 @!p0 $0x88, s6;
	s7 =	simm.s32 @p2 $0x1082  }
0x22: {  	[simem:s7], [sflag:s8] =	dma.local @!p0 [hbm:s6], $0xF7A  }
0x23: {  	s9 =	sor.u32 $0xD0000000, s2;
	s6 =	simm.s32 $0x108;
	_ =	swait.ge @!p0 [sflag:s8], $0x0  }
0x24: {  	s3 =	sadd.s32 $0x88, s3;
	s6 =	simm.s32 @!p1 $0x1082;
	[sflag:s4] =	ssyncset.s32 $0xFFFFF086  }
0x25: {  	[simem:s6], [sflag:s4] =	dma.local [hbm:s3], $0xF7A  }
0x26: {  	[smem:$0x3F9A] =	sst s1;
	(tag) =	ssettag s2;
	_ =	strace s9  }
0x27: {  	s1 =	sld [smem:$0x3FAA]  }
0x28: {  	s2 =	sld [smem:$0x3FAB]  }
0x29: {  	s4 =	sld [smem:$0x3FAD]  }
0x2a: {  	p0 =	seq.s32 s5, $0x0;
	s5 =	sld [smem:$0x3FAE]  }
0x2b: {  	s6 =	sld [smem:$0x3FAF]  }
0x2c: {  	s7 =	sld [smem:$0x3FB0]  }
0x2d: {  	s3 =	simm.s32 $0x108;
	s8 =	sld [smem:$0x3FB1]  }
0x2e: {  	s3 =	simm.s32 @!p0 $0x1082;
	s9 =	sld [smem:$0x3FB2]  }
0x2f: {  	lr =	sadd.s32 s0, s3;
	s0 =	sld [smem:$0x3FA9]  }
0x30: {  	s3 =	sld [smem:$0x3FAC]  }
0x31: {  	[smem:$0x3FB5] =	sst s10  }
0x32: {  	s10 =	sld [smem:$0x3FB3];
	_ =	sdelay $0x3  }
0x33: {  	p0 =	seq.s32 s10, $0x1;
	s10 =	sld [smem:$0x3FB5];
	_ =	sdelay $0x3  }
0x34: {  	[smem:$0x3FB5] =	sst s10  }
0x35: {  	s10 =	sld [smem:$0x3FB4];
	_ =	sdelay $0x3  }
0x36: {  	p1 =	seq.s32 s10, $0x1;
	s10 =	sld [smem:$0x3FB5];
	_ =	sdelay $0x3  }
0x37: {  	[smem:$0x3FB5] =	sst s10  }
0x38: {  	s10 =	sld [smem:$0x3FB6]  }
0x39: {  	_ = 	snop;
	(pc) =	sbr.ind lr, $3  }
0x3a: {  	_ = 	snop  }
0x3b: {  	_ = 	snop  }
0x3c: {  	p2 =	seq.s32 s10, $0x1;
	s10 =	sld [smem:$0x3FB5]  }
0x3d: {  	_ =	shalt  }
0x3e: {  	_ =	shalt  }
0x3f: {  	_ =	shalt  }
0x40: {  	_ =	shalt  }
0x41: {  	_ =	shalt  }
0x42: {  	_ =	shalt  }
0x43: {  	_ =	shalt  }
0x44: {  	_ =	shalt  }
0x45: {  	_ =	shalt  }
0x46: {  	_ =	shalt  }
0x47: {  	_ =	shalt  }
0x48: {  	_ =	shalt  }
0x49: {  	_ =	shalt  }
0x4a: {  	_ =	shalt  }
0x4b: {  	_ =	shalt  }
0x4c: {  	_ =	shalt  }
0x4d: {  	_ =	shalt  }
0x4e: {  	_ =	shalt  }
0x4f: {  	_ =	shalt  }
0x50: {  	_ =	shalt  }
0x51: {  	_ =	shalt  }
0x52: {  	_ =	shalt  }
0x53: {  	_ =	shalt  }
0x54: {  	_ =	shalt  }
0x55: {  	_ =	shalt  }
0x56: {  	_ =	shalt  }
0x57: {  	_ =	shalt  }
0x58: {  	_ =	shalt  }
0x59: {  	_ =	shalt  }
0x5a: {  	_ =	shalt  }
0x5b: {  	_ =	shalt  }
0x5c: {  	_ =	shalt  }
0x5d: {  	_ =	shalt  }
0x5e: {  	_ =	shalt  }
0x5f: {  	_ =	shalt  }
0x60: {  	_ =	shalt  }
0x61: {  	_ =	shalt  }
0x62: {  	_ =	shalt  }
0x63: {  	_ =	shalt  }
0x64: {  	_ =	shalt  }
0x65: {  	_ =	shalt  }
0x66: {  	_ =	shalt  }
0x67: {  	_ =	shalt  }
0x68: {  	_ =	shalt  }
0x69: {  	_ =	shalt  }
0x6a: {  	_ =	shalt  }
0x6b: {  	_ =	shalt  }
0x6c: {  	_ =	shalt  }
0x6d: {  	_ =	shalt  }
0x6e: {  	_ =	shalt  }
0x6f: {  	_ =	shalt  }
0x70: {  	_ =	shalt  }
0x71: {  	_ =	shalt  }
0x72: {  	_ =	shalt  }
0x73: {  	_ =	shalt  }
0x74: {  	_ =	shalt  }
0x75: {  	_ =	shalt  }
0x76: {  	_ =	shalt  }
0x77: {  	_ =	shalt  }
0x78: {  	_ =	shalt  }
0x79: {  	_ =	shalt  }
0x7a: {  	_ =	shalt  }
0x7b: {  	_ =	shalt  }
0x7c: {  	_ =	shalt  }
0x7d: {  	_ =	shalt  }
0x7e: {  	_ =	shalt  }
0x7f: {  	_ =	shalt  }
0x80: {  	_ =	shalt  }
0x81: {  	_ =	shalt  }
0x82: {  	_ =	shalt  }
0x83: {  	_ =	shalt  }
0x84: {  	_ =	shalt  }
0x85: {  	_ =	shalt  }
0x86: {  	_ =	shalt  }
0x87: {  	_ =	shalt  }
.Lfunc_end0:
.L_simem_size_0:
called_computation.3_lowered:
.L_overlay_start_0:
0x88: {  	s0 =	sld [smem:$0x3FD9]  }
0x89: {  	s1 =	sld [smem:$0x3FFE];
	_ =	sdelay $0x3  }
0x8a: {  	s0 =	sadd.s32 s1, s0  }
0x8b: {  	[smem:$0x3FC1] =	sst s0  }
0x8c: {  	_ = 	snop  }
0x8d: {  	s0 =	sld [smem:$0x3FD0];
	(tm) =	ssettm $0x1  }
0x8e: {  	s16 =	sld [smem:$0x3FFB];
	_ =	sdelay $0x3  }
0x8f: {  	_ =	strace s16  }
0x90: {  	s1 =	sld [smem:$0x3FFC];
	_ =	sdelay $0x3  }
0x91: {  	_ =	strace s1  }
0x92: {  	s1 =	sld [smem:$0x3FFD];
	_ =	sdelay $0x3  }
0x93: {  	_ =	strace s1  }
0x94: {  	_ =	strace $0x8FFFFFFF  }
0x95: {  	s17 =	sld [smem:$0x3FDB];
	_ =	sdelay $0x1  }
0x96: {  	s2 =	simm.s32 $_scs_section_size  }
0x97: {  	s3 =	simm.s32 $_size__tile_overlayer_lowered;
	s4 =	simm.s32 $_tile_overlayer_lowered  }
0x98: {  	s20 =	simm.s32 $0x1BFF;
	s19 =	sshll.u32 s4, $0x1;
	s1 =	sadd.s32 s2, s17  }
0x99: {  	s5 =	simm.s32 $0x0;
	s18 =	sshll.u32 s3, $0x1;
	s3 =	sadd.s32 s19, s1  }
0x9a: {  	[timem:s5], [sflag:s20] =	dma.local [hbm:s3], s18  }
0x9b: {  	_ =	swait.ge [sflag:s20], s18  }
0x9c: {  	s2 =	ssub.s32 $0x0, s18;
	[sflag:s20] =	ssyncset.done $0x0  }
0x9d: {  	[sflag:s20] =	ssyncadd.s32 s2;
	_ =	sdelay $0x1  }
0x9e: {  	s21 =	simm.s32 $0x1B8B  }
0x9f: {  	_ =	swait.ge [sflag:s21], $0x1  }
0xa0: {  	[sflag:s21] =	ssyncset.done $0x0  }
0xa1: {  	s23 =	simm.s32 $0x1B8E;
	s22 =	sld [smem:$0x3FFE];
	[sflag:s21] =	ssyncadd.s32 $0xFFFFFFFF  }
0xa2: {  	s24 =	simm.s32 $execute0_lowered;
	[smem:$0x3FD2] =	sst s23  }
0xa3: {  	s3 =	sshll.u32 s24, $0x1;
	_ =	strace $0x8000004F;
	[dreg:$0x1] =	wrdreg $0xFFFFFFFF  }
0xa4: {  	s25 =	simm.s32 $_size_execute0_lowered;
	s1 =	sadd.s32 s1, s3;
	[dreg:$0x0] =	wrdreg $0x0  }
0xa5: {  	s3 =	sshll.u32 s25, $0x1;
	[dreg:$0x2] =	wrdreg s1  }
0xa6: {  	[dreg:$0x3] =	wrdreg s3  }
0xa7: {  	[dreg:$0x4] =	wrdreg $0xC0  }
0xa8: {  	_ =	task [dreg:s5], $0x5FFFF  }
0xa9: {  	[dreg:$0x1] =	wrdreg $0xFFFFFFFF  }
0xaa: {  	[dreg:$0x0] =	wrdreg $0x60  }
0xab: {  	[dreg:$0x2] =	wrdreg s22  }
0xac: {  	[dreg:$0x3] =	wrdreg s0  }
0xad: {  	[dreg:$0x4] =	wrdreg $0x9  }
0xae: {  	_ =	task.clear_ibuf [dreg:s5], $0x5FFFF;
	_ =	strace $0x9000004F  }
0xaf: {  	s26 =	simm.s32 $0x9;
	_ =	strace $0x80000051  }
0xb0: {  	_ =	swait.ge [sflag:s26], $0x1  }
0xb1: {  	[sflag:s26] =	ssyncadd.s32 $0xFFFFFFFF  }
0xb2: {  	_ =	strace $0x90000051  }
0xb3: {  	_ =	sfence  }
0xb4: {  	s28 =	sld [smem:$0x0];
	_ =	sdelay $0x1  }
0xb5: {  	s29 =	srdreg.scid  }
0xb6: {  	s30 =	sshll.u32 s29, $0xD;
	s31 =	sshrl.u32 s29, $0x2  }
0xb7: {  	s2 =	sand.u32 $0x4000, s30;
	s1 =	sand.u32 $0x1, s29;
	s0 =	sadd.s32 s31, s28  }
0xb8: {  	s1 =	sor.u32 s2, s1;
	s0 =	sshll.u32 s0, $0x11  }
0xb9: {  	s0 =	sor.u32 s0, s1  }
0xba: {  	s0 =	sadd.s32 $0x8F2B, s0  }
0xbb: {  	[sflag:s0] =	ssyncadd.remote.s32 $0x1  }
0xbc: {  	_ =	sfence.sel $0xFFFF  }
0xbd: {  	[dreg:$0x0] =	wrdreg $0xFFFFFFFF;
	(pc) =	sbr.abs _section_cstart, $3  }
0xbe: {  	[dreg:$0x1] =	wrdreg $0xFFFFFFFF  }
0xbf: {  	_ =	task.clear_ibuf [dreg:s5], $0x2FFFF;
	_ =	strace $0x9FFFFFFF  }
0xc0: {  	(tm) =	ssettm $0x7FFFFFFF  }
0xc1: {  	_ =	shalt  }
tec
execute0_lowered:
.L_overlay_start_1:
0x0: {  	(tag) =	ssettag $0x1  }
0x1: {  	s0 =	stileid.u32  }
0x2: {  	s1 =	smul.u32 $0x3, s0  }
0x3: {  	s2 =	smin.u32 s0, $0x2  }
0x4: {  	s1 =	sadd.s32 s2, s1  }
0x5: {  	p0 =	slt.u32 s0, $0x2;
	s2 =	simm.s32 $0x320;
	s1 =	smul.u32 $0xC8, s1  }
0x6: {  	s2 =	simm.s32 @!p0 $0x258  }
0x7: {  	s2 =	sadd.s32 s2, s1  }
0x8: {  	s3 =	smin.u32 s2, $0x2710  }
0x9: {  	s7 =	ssub.s32 s3, s1  }
0xa: {  	p0 =	sgt.s32 s7, $0x0  }
0xb: {  	s7 =	simm.s32 @!p0 $0x0  }
0xc: {  	s31 =	sand.u32 $0xFFF8, s7  }
0xd: {  	s2 =	sshrl.u32 s31, $0x3  }
0xe: {  	s9 =	rddreg [dreg:$0x0];
	s2 =	smul.u32 $0x147B, s2  }
0xf: {  	s4 =	rddreg [dreg:$0x1];
	s6 =	simm.s32 $0x1  }
0x10: {  	s11 =	simm.s32 $0x3;
	s13 =	simm.s32 $0x0;
	s8 =	sshrl.u32 s2, $0x11  }
0x11: {  	s12 =	simm.s32 $0x0;
	s5 =	sadd.s32 $0x1A00, s9;
	s10 =	smul.u32 $0xC8, s8  }
.Ltmp0:
0x12: {  	s9 =	sadd.s32 $0x1400, s9;
	s2 =	rddreg [dreg:$0x2];
	(pc) =	sbr.rel .LBB2_1-.Ltmp0, $4  }
0x13: {  	_ =	strace $0x80000050;
	p0 =	sne.s32 s7, s10;
	s10 =	simm.s32 $0x1  }
0x14: {  	[sflag:s6] =	ssyncpa.u1 $0x0;
	s7 =	simm.s32 $0x2;
	s10 =	simm.s32 @!p0 $0x0  }
0x15: {  	[sflag:s7] =	ssyncpa.u1 $0x0;
	p0 =	por $0x0, $0x0;
	s8 =	sadd.s32 s8, s10  }
0x16: {  	vm0 =	vmmov $0xff;
	vm1 =	vcmask $0x3F20;
	[sflag:s11] =	ssyncpa.u1 $0x0;
	s11 =	smov.u32 s1;
	s10 =	sadd.s32 $0x1, s8  }
.LBB2_10:
0x17: {  	[hbm:s17] =	stream.linear.scatter [tilespmem:s14], [sflag:$0x3], $0x800, $0x38;
	[tilespmem:$0x19190] =	vst v63  }
.LBB2_11:
0x18: {  	s13 =	sadd.s32 $0xC8, s11  }
0x19: {  	s15 =	smov.u32 s1;
	p2 =	slt.s32 s13, s3  }
0x1a: {  	s15 =	smov.u32 @p2 s13;
	p2 =	sne.s32 s12, s10  }
.Ltmp1:
0x1b: {  	p1 =	slt.u32 s12, $0x2;
	(pc) =	sbr.rel @!p2 .LBB2_12-.Ltmp1, $4  }
0x1c: {  	s14 =	simm.s32 @!p1 $0x3  }
0x1d: {  	s16 =	sadd.s32 $0x1, s12;
	_ =	swait.ge @!p1 [sflag:s14], $0xC800  }
0x1e: {  	p0 =	por !p0, !p0;
	s13 =	smov.u32 s11;
	[sflag:s14] =	ssyncset.done @!p1 $0x0  }
0x1f: {  	s12 =	smov.u32 s16;
	s11 =	smov.u32 s15;
	[sflag:s14] =	ssyncadd.s32 @!p1 $0xFFFF3800  }
.LBB2_1:
0x20: {  	p1 =	sge.u32 s12, s8  }
0x21: {  	s14 =	sxor.u32 @!p1 $0xFFFFFFFF, s12  }
0x22: {  	s14 =	sand.u32 @!p1 $0x1, s14  }
0x23: {  	s14 =	smul.u32 @!p1 $0x320, s14  }
0x24: {  	s31 =	sadd.s32 $0xFFFFFFFF, s12;
	s15 =	sshrl.u32 @!p1 s11, $0x3  }
0x25: {  	s16 =	sand.u32 @!p1 $0x7, s11;
	s15 =	sadd.s32 @!p1 s9, s15;
	s14 =	sshrl.u32 @!p1 s14, $0x2  }
0x26: {  	[tilespmem:s14], [sflag:$0x2] =	stream.linear.gather @!p1 [hbm4b:s15+s16], $0xC8, $0x38;
	[tilespmem:$0x19190] =	vst v63  }
0x27: {  	p1 =	sge.u32 s31, s8  }
.Ltmp2:
0x28: {  	_ = 	snop;
	(pc) =	sbr.rel @p1 .LBB2_11-.Ltmp2, $1  }
0x29: {  	_ =	sdelay $0x3  }
0x2a: {  	s15 =	sand.u32 $0x1, s12  }
0x2b: {  	s14 =	simm.s32 $0x1;
	s16 =	smul.u32 $0x32000, s15  }
0x2c: {  	_ =	swait.ge [sflag:s7], $0xC8;
	s14 =	simm.s32 @!p0 $0x0;
	s15 =	smul.u32 $0x320, s15  }
0x2d: {  	[sflag:s7] =	ssyncset.done $0x0;
	s14 =	smul.u32 $0x32000, s14  }
0x2e: {  	[sflag:s7] =	ssyncadd.s32 $0xFFFFFF38  }
0x2f: {  	s17 =	sshrl.u32 s16, $0x2;
	s16 =	sshrl.u32 s15, $0x2;
	s14 =	sshrl.u32 s14, $0x2  }
0x30: {  	s15 =	sor.u32 $0x190, s17;
	s17 =	simm.s32 $0x0;
	s14 =	sor.u32 $0x190, s14  }
.LBB2_3:
0x31: {  	s18 =	sshll.u32 s17, $0x4  }
0x32: {  	s18 =	sand.u32 $0x3FFFFFF0, s18  }
0x33: {  	s18 =	sadd.s32 s18, s16  }
0x34: {  	v0 =	vld.msk [tilespmem:s18+$0x0 ss:$0x1], $0xffff;
	_ =	sdelay $0x4  }
0x35: {  	vm2 =	vgt.s32 v0, $0x0  }
0x36: {  	v0 =	vnsel vm2, $0x0, v0  }
0x37: {  	v0 =	vmin.u32 v0, $0x270F  }
0x38: {  	s31 =	sshll.u32 s17, $0xC;
	v1 =	vshll.u32 v0, $0x5;
	v0 =	vshll.u32 v0, $0x4  }
0x39: {  	s18 =	sand.u32 $0x3FFFF000, s31;
	v1 =	vand.u32 $0x7FF00, v1;
	v0 =	vand.u32 $0x70, v0  }
0x3a: {  	p1 =	por $0x1, $0x1;
	s19 =	simm.s32 $0x0;
	s18 =	sadd.s32 s18, s15;
	v0 =	vor.u32 v0, v1  }
.LBB2_4:
0x3b: {  	_ =	sdelay $0x1  }
0x3c: {  	s19 =	sshra.s32 s19, $0x2;
	p2 =	por p1, p1  }
.Ltmp3:
0x3d: {  	s19 =	sadd.s32 s19, s18;
	(pc) =	sbr.rel @p2 .LBB2_4-.Ltmp3, $4  }
0x3e: {  	[tilespmem:s19], [sflag:$0x1] =	stream.indirect_vreg.gather [hbm:s5], $0x80, v0, vm0, $0x38;
	[tilespmem:$0x19190] =	vst v63  }
0x3f: {  	s19 =	sadd.s32 $0x800, s19  }
0x40: {  	[tilespmem:s19], [sflag:$0x1] =	stream.indirect_vreg.gather [hbm:s5], $0x80, v0, vm1, $0x38;
	[tilespmem:$0x19190] =	vst v63  }
0x41: {  	p1 =	por $0x0, $0x0;
	v0 =	vadd.s32 $0x80, v0;
	s19 =	simm.s32 $0x1000  }
0x42: {  	s17 =	sadd.s32 $0x1, s17  }
0x43: {  	p1 =	sne.s32 s17, $0xC  }
.Ltmp4:
0x44: {  	_ = 	snop;
	(pc) =	sbr.rel @p1 .LBB2_3-.Ltmp4, $1  }
0x45: {  	_ =	sdelay $0x3  }
0x46: {  	v0 =	vld.msk [tilespmem:s16+$0xC0 ss:$0x1], $0xff;
	_ =	sdelay $0x4  }
0x47: {  	vm2 =	vgt.s32 v0, $0x0  }
0x48: {  	v0 =	vnsel vm2, $0x0, v0  }
0x49: {  	v0 =	vmin.u32 v0, $0x270F  }
0x4a: {  	v1 =	vshll.u32 v0, $0x5;
	v0 =	vshll.u32 v0, $0x4  }
0x4b: {  	v1 =	vand.u32 $0x7FF00, v1;
	v0 =	vand.u32 $0x70, v0  }
0x4c: {  	s16 =	simm.s32 $0x0;
	p1 =	por $0x1, $0x1;
	v0 =	vor.u32 v0, v1  }
.LBB2_7:
0x4d: {  	p2 =	por p1, p1  }
.Ltmp5:
0x4e: {  	s16 =	sshra.s32 s16, $0x2;
	(pc) =	sbr.rel @p2 .LBB2_7-.Ltmp5, $4  }
0x4f: {  	s16 =	sadd.s32 s16, s15  }
0x50: {  	s16 =	sadd.s32 $0xC000, s16  }
0x51: {  	[tilespmem:s16], [sflag:$0x1] =	stream.indirect_vreg.gather [hbm:s5], $0x80, v0, vm0, $0x38;
	[tilespmem:$0x19190] =	vst v63  }
0x52: {  	p1 =	por $0x0, $0x0;
	v0 =	vadd.s32 $0x80, v0;
	s16 =	simm.s32 $0x1000  }
0x53: {  	s15 =	sshll.u32 s13, $0x5  }
0x54: {  	s31 =	sshll.u32 s13, $0x4;
	s15 =	sand.u32 $0xFFFFFF00, s15  }
0x55: {  	_ =	swait.ge [sflag:s6], $0xC800;
	s13 =	sand.u32 $0x70, s31;
	s15 =	sadd.s32 s15, s4  }
0x56: {  	s16 =	sadd.s32 $0x800, s14;
	[sflag:s6] =	ssyncset.done $0x0;
	s13 =	sadd.s32 s13, s15  }
0x57: {  	[sflag:s6] =	ssyncadd.s32 $0xFFFF3800;
	s15 =	simm.s32 $0x100;
	s17 =	sadd.s32 $0x0, s13  }
.LBB2_9:
0x58: {  	[hbm:s17] =	stream.linear.scatter [tilespmem:s14], [sflag:$0x3], $0x800, $0x38;
	[tilespmem:$0x19190] =	vst v63  }
0x59: {  	s17 =	smov.u32 s15;
	s14 =	smov.u32 s16;
	p1 =	sne.s32 s15, $0x1800  }
.Ltmp6:
0x5a: {  	s15 =	sadd.s32 $0x100, s15;
	(pc) =	sbr.rel @p1 .LBB2_9-.Ltmp6, $2  }
0x5b: {  	_ =	sdelay $0x2  }
0x5c: {  	s16 =	sadd.s32 $0x800, s16;
	s17 =	sadd.s32 s17, s13  }
.Ltmp7:
0x5d: {  	_ = 	snop;
	(pc) =	sbr.rel .LBB2_10-.Ltmp7, $1  }
0x5e: {  	_ =	sdelay $0x3  }
.LBB2_12:
0x5f: {  	_ =	sfence.sel $0x180000  }
0x60: {  	s1 =	simm.s32 $0x2;
	[bflag:$0x0] =	sbarrier.arrive $0xFFFF  }
0x61: {  	s30 =	simm.s32 $0x3;
	[sflag:s1] =	ssyncpa.u1 $0x1  }
0x62: {  	s31 =	simm.s32 $0x1;
	[sflag:s30] =	ssyncpa.u1 $0x1  }
0x63: {  	[sflag:s31] =	ssyncpa.u1 $0x1  }
0x64: {  	p0 =	sne.s32 s0, $0x0;
	_ =	strace $0x90000050  }
0x65: {  	s0 =	sadd.s32 @!p0 $0x100000, s2;
	[bflag:$0x2] =	sbarrier.arrive $0xFFFF  }
0x66: {  	[sflag:s0] =	ssyncadd.tile.s32 @!p0 $0x1;
	_ =	shalt  }
.Lfunc_end2:
_tile_overlayer_lowered:
.L_overlay_start_2:
0x67: {  	(tag) =	ssettag $0x2  }
0x68: {  	s0 =	rddreg [dreg:$0x0];
	s2 =	stileid.u32  }
0x69: {  	s1 =	rddreg [dreg:$0x1];
	p0 =	sne.s32 s2, $0x0  }
0x6a: {  	s3 =	rddreg [dreg:$0x2];
	[bflag:$0x3] =	sbarrier.arrive $0xFFFF;
	s2 =	simm.s32 @!p0 $0x1C01  }
0x6b: {  	[timem:s3], [sflag:s2] =	dma.local @!p0 [hbm:s0], s1  }
0x6c: {  	s0 =	simm.s32 @!p0 $0x1  }
0x6d: {  	_ =	swait.ge @!p0 [sflag:s0], s1  }
0x6e: {  	s1 =	ssub.s32 @!p0 $0x0, s1;
	[sflag:s0] =	ssyncset.done @!p0 $0x0  }
0x6f: {  	[sflag:s0] =	ssyncadd.s32 @!p0 s1  }
0x70: {  	[bflag:$0x3] =	sbarrier.arrive $0xFFFF  }
0x71: {  	_ =	shalt  }

// kernel: gather_offload_async_start
scs
__scs_entry_jumppad:
0x0: {  	(pc) =	sbr.rel $0x88, $3  }
0x1: {  	(tag) =	ssettag $0x0;
	lr =	simm.s32 $0x1  }
0x2: {  	[smem:$0x3F9A] =	sst lr;
	_ =	strace $0xD0000000  }
0x3: {  	_ = 	snop  }
0x4: {  	_ = 	snop  }
0x5: {  	_ = 	snop  }
0x6: {  	_ = 	snop  }
0x7: {  	_ = 	snop  }
__scs_overlays_trampoline_lowered:
0x8: {  	[smem:$0x3FA9] =	sst s0  }
0x9: {  	[smem:$0x3FAA] =	sst s1  }
0xa: {  	[smem:$0x3FAB] =	sst s2  }
0xb: {  	[smem:$0x3FAC] =	sst s3  }
0xc: {  	[smem:$0x3FAD] =	sst s4  }
0xd: {  	[smem:$0x3FAE] =	sst s5  }
0xe: {  	[smem:$0x3FAF] =	sst s6  }
0xf: {  	[smem:$0x3FB0] =	sst s7  }
0x10: {  	[smem:$0x3FB1] =	sst s8  }
0x11: {  	[smem:$0x3FB2] =	sst s9;
	s0 =	simm.s32 @!p0 $0x0  }
0x12: {  	s1 =	sld [smem:$0x3F98];
	s0 =	simm.s32 @p0 $0x1  }
0x13: {  	[smem:$0x3FB3] =	sst s0;
	s0 =	simm.s32 @!p1 $0x0  }
0x14: {  	s2 =	sld [smem:$0x3F97];
	s0 =	simm.s32 @p1 $0x1  }
0x15: {  	[smem:$0x3FB4] =	sst s0;
	s0 =	simm.s32 @!p2 $0x0  }
0x16: {  	s3 =	sld [smem:$0x3FDB];
	s0 =	simm.s32 @p2 $0x1  }
0x17: {  	s4 =	simm.s32 $0x1BF5;
	[smem:$0x3FB6] =	sst s0  }
0x18: {  	s0 =	sld [smem:$0x3F99];
	_ =	swait.ge [sflag:s4], $0x0  }
0x19: {  	s7 =	sld [smem:$0x3F9A]  }
0x1a: {  	s8 =	sadd.s32 $0xFFFFE003, lr  }
0x1b: {  	s9 =	sadd.s32 $0xFFFFFEF7, lr;
	s5 =	simm.s32 $0xFFFFFFFF;
	p2 =	slt.u32 s8, $0xFFFFF086  }
0x1c: {  	p1 =	slt.u32 s9, $0xF7A;
	s5 =	simm.s32 @!p2 $0x0  }
0x1d: {  	s5 =	simm.s32 @p1 $0x1;
	p0 =	seq.s32 s7, s2  }
0x1e: {  	s7 =	smul.u32 @!p0 $0xF7A, s2;
	p2 =	seq.s32 @!p0 s5, $0x0  }
0x1f: {  	s9 =	smul.u32 $0xF7A, s1;
	s8 =	simm.s32 @!p0 $0x1BF5;
	p2 =	por !p2, p0  }
0x20: {  	[sflag:s8] =	ssyncset.s32 @!p0 $0xFFFFF086;
	s6 =	sadd.s32 @!p0 s3, s7;
	s7 =	simm.s32 @!p0 $0x108  }
0x21: {  	s3 =	sadd.s32 s3, s9;
	s6 =	sadd.s32 @!p0 $0x88, s6;
	s7 =	simm.s32 @p2 $0x1082  }
0x22: {  	[simem:s7], [sflag:s8] =	dma.local @!p0 [hbm:s6], $0xF7A  }
0x23: {  	s9 =	sor.u32 $0xD0000000, s2;
	s6 =	simm.s32 $0x108;
	_ =	swait.ge @!p0 [sflag:s8], $0x0  }
0x24: {  	s3 =	sadd.s32 $0x88, s3;
	s6 =	simm.s32 @!p1 $0x1082;
	[sflag:s4] =	ssyncset.s32 $0xFFFFF086  }
0x25: {  	[simem:s6], [sflag:s4] =	dma.local [hbm:s3], $0xF7A  }
0x26: {  	[smem:$0x3F9A] =	sst s1;
	(tag) =	ssettag s2;
	_ =	strace s9  }
0x27: {  	s1 =	sld [smem:$0x3FAA]  }
0x28: {  	s2 =	sld [smem:$0x3FAB]  }
0x29: {  	s4 =	sld [smem:$0x3FAD]  }
0x2a: {  	p0 =	seq.s32 s5, $0x0;
	s5 =	sld [smem:$0x3FAE]  }
0x2b: {  	s6 =	sld [smem:$0x3FAF]  }
0x2c: {  	s7 =	sld [smem:$0x3FB0]  }
0x2d: {  	s3 =	simm.s32 $0x108;
	s8 =	sld [smem:$0x3FB1]  }
0x2e: {  	s3 =	simm.s32 @!p0 $0x1082;
	s9 =	sld [smem:$0x3FB2]  }
0x2f: {  	lr =	sadd.s32 s0, s3;
	s0 =	sld [smem:$0x3FA9]  }
0x30: {  	s3 =	sld [smem:$0x3FAC]  }
0x31: {  	[smem:$0x3FB5] =	sst s10  }
0x32: {  	s10 =	sld [smem:$0x3FB3];
	_ =	sdelay $0x3  }
0x33: {  	p0 =	seq.s32 s10, $0x1;
	s10 =	sld [smem:$0x3FB5];
	_ =	sdelay $0x3  }
0x34: {  	[smem:$0x3FB5] =	sst s10  }
0x35: {  	s10 =	sld [smem:$0x3FB4];
	_ =	sdelay $0x3  }
0x36: {  	p1 =	seq.s32 s10, $0x1;
	s10 =	sld [smem:$0x3FB5];
	_ =	sdelay $0x3  }
0x37: {  	[smem:$0x3FB5] =	sst s10  }
0x38: {  	s10 =	sld [smem:$0x3FB6]  }
0x39: {  	_ = 	snop;
	(pc) =	sbr.ind lr, $3  }
0x3a: {  	_ = 	snop  }
0x3b: {  	_ = 	snop  }
0x3c: {  	p2 =	seq.s32 s10, $0x1;
	s10 =	sld [smem:$0x3FB5]  }
0x3d: {  	_ =	shalt  }
0x3e: {  	_ =	shalt  }
0x3f: {  	_ =	shalt  }
0x40: {  	_ =	shalt  }
0x41: {  	_ =	shalt  }
0x42: {  	_ =	shalt  }
0x43: {  	_ =	shalt  }
0x44: {  	_ =	shalt  }
0x45: {  	_ =	shalt  }
0x46: {  	_ =	shalt  }
0x47: {  	_ =	shalt  }
0x48: {  	_ =	shalt  }
0x49: {  	_ =	shalt  }
0x4a: {  	_ =	shalt  }
0x4b: {  	_ =	shalt  }
0x4c: {  	_ =	shalt  }
0x4d: {  	_ =	shalt  }
0x4e: {  	_ =	shalt  }
0x4f: {  	_ =	shalt  }
0x50: {  	_ =	shalt  }
0x51: {  	_ =	shalt  }
0x52: {  	_ =	shalt  }
0x53: {  	_ =	shalt  }
0x54: {  	_ =	shalt  }
0x55: {  	_ =	shalt  }
0x56: {  	_ =	shalt  }
0x57: {  	_ =	shalt  }
0x58: {  	_ =	shalt  }
0x59: {  	_ =	shalt  }
0x5a: {  	_ =	shalt  }
0x5b: {  	_ =	shalt  }
0x5c: {  	_ =	shalt  }
0x5d: {  	_ =	shalt  }
0x5e: {  	_ =	shalt  }
0x5f: {  	_ =	shalt  }
0x60: {  	_ =	shalt  }
0x61: {  	_ =	shalt  }
0x62: {  	_ =	shalt  }
0x63: {  	_ =	shalt  }
0x64: {  	_ =	shalt  }
0x65: {  	_ =	shalt  }
0x66: {  	_ =	shalt  }
0x67: {  	_ =	shalt  }
0x68: {  	_ =	shalt  }
0x69: {  	_ =	shalt  }
0x6a: {  	_ =	shalt  }
0x6b: {  	_ =	shalt  }
0x6c: {  	_ =	shalt  }
0x6d: {  	_ =	shalt  }
0x6e: {  	_ =	shalt  }
0x6f: {  	_ =	shalt  }
0x70: {  	_ =	shalt  }
0x71: {  	_ =	shalt  }
0x72: {  	_ =	shalt  }
0x73: {  	_ =	shalt  }
0x74: {  	_ =	shalt  }
0x75: {  	_ =	shalt  }
0x76: {  	_ =	shalt  }
0x77: {  	_ =	shalt  }
0x78: {  	_ =	shalt  }
0x79: {  	_ =	shalt  }
0x7a: {  	_ =	shalt  }
0x7b: {  	_ =	shalt  }
0x7c: {  	_ =	shalt  }
0x7d: {  	_ =	shalt  }
0x7e: {  	_ =	shalt  }
0x7f: {  	_ =	shalt  }
0x80: {  	_ =	shalt  }
0x81: {  	_ =	shalt  }
0x82: {  	_ =	shalt  }
0x83: {  	_ =	shalt  }
0x84: {  	_ =	shalt  }
0x85: {  	_ =	shalt  }
0x86: {  	_ =	shalt  }
0x87: {  	_ =	shalt  }
.Lfunc_end0:
.L_simem_size_0:
called_computation_lowered:
.L_overlay_start_0:
0x88: {  	s0 =	sld [smem:$0x3FD9]  }
0x89: {  	s1 =	sld [smem:$0x3FFE];
	_ =	sdelay $0x3  }
0x8a: {  	s0 =	sadd.s32 s1, s0  }
0x8b: {  	[smem:$0x3FC1] =	sst s0  }
0x8c: {  	_ = 	snop  }
0x8d: {  	(tm) =	ssettm $0x1  }
0x8e: {  	s15 =	sld [smem:$0x3FFB];
	_ =	sdelay $0x3  }
0x8f: {  	_ =	strace s15  }
0x90: {  	s0 =	sld [smem:$0x3FFC];
	_ =	sdelay $0x3  }
0x91: {  	_ =	strace s0  }
0x92: {  	s0 =	sld [smem:$0x3FFD];
	_ =	sdelay $0x3  }
0x93: {  	_ =	strace s0  }
0x94: {  	_ =	strace $0x8FFFFFFF  }
0x95: {  	s16 =	sld [smem:$0x3FDB];
	_ =	sdelay $0x1  }
0x96: {  	s17 =	simm.s32 $_scs_section_size  }
0x97: {  	s2 =	simm.s32 $_size__tile_overlayer_lowered;
	s3 =	simm.s32 $_tile_overlayer_lowered  }
0x98: {  	s20 =	simm.s32 $0x1BFF;
	s19 =	sshll.u32 s3, $0x1;
	s0 =	sadd.s32 s17, s16  }
0x99: {  	s4 =	simm.s32 $0x0;
	s18 =	sshll.u32 s2, $0x1;
	s2 =	sadd.s32 s19, s0  }
0x9a: {  	[timem:s4], [sflag:s20] =	dma.local [hbm:s2], s18  }
0x9b: {  	_ =	swait.ge [sflag:s20], s18  }
0x9c: {  	s1 =	ssub.s32 $0x0, s18;
	[sflag:s20] =	ssyncset.done $0x0  }
0x9d: {  	[sflag:s20] =	ssyncadd.s32 s1;
	_ =	sdelay $0x1  }
0x9e: {  	s21 =	simm.s32 $0x1B8B  }
0x9f: {  	_ =	swait.ge [sflag:s21], $0x1  }
0xa0: {  	[sflag:s21] =	ssyncset.done $0x0  }
0xa1: {  	s23 =	simm.s32 $0x1B8E;
	s22 =	sld [smem:$0x3FFE];
	[sflag:s21] =	ssyncadd.s32 $0xFFFFFFFF  }
0xa2: {  	s24 =	simm.s32 $execute0_lowered;
	[smem:$0x3FD2] =	sst s23  }
0xa3: {  	s2 =	sshll.u32 s24, $0x1;
	_ =	strace $0x80000049;
	[dreg:$0x1] =	wrdreg $0xFFFFFFFF  }
0xa4: {  	s25 =	simm.s32 $_size_execute0_lowered;
	s0 =	sadd.s32 s0, s2;
	[dreg:$0x0] =	wrdreg $0x0  }
0xa5: {  	s2 =	sshll.u32 s25, $0x1;
	[dreg:$0x2] =	wrdreg s0  }
0xa6: {  	[dreg:$0x3] =	wrdreg s2  }
0xa7: {  	[dreg:$0x4] =	wrdreg $0xC0  }
0xa8: {  	_ =	task [dreg:s4], $0x5FFFF  }
0xa9: {  	[dreg:$0x1] =	wrdreg $0xFFFFFFFF  }
0xaa: {  	[dreg:$0x0] =	wrdreg $0x60  }
0xab: {  	[dreg:$0x2] =	wrdreg s22  }
0xac: {  	[dreg:$0x3] =	wrdreg $0x9  }
0xad: {  	_ =	task.clear_ibuf [dreg:s4], $0x4FFFF;
	_ =	strace $0x90000049  }
0xae: {  	s26 =	simm.s32 $0x9;
	_ =	strace $0x8000004B  }
0xaf: {  	_ =	swait.ge [sflag:s26], $0x1  }
0xb0: {  	[sflag:s26] =	ssyncadd.s32 $0xFFFFFFFF  }
0xb1: {  	_ =	strace $0x9000004B  }
0xb2: {  	_ =	sfence  }
0xb3: {  	s28 =	sld [smem:$0x0];
	_ =	sdelay $0x1  }
0xb4: {  	s29 =	srdreg.scid  }
0xb5: {  	s30 =	sshll.u32 s29, $0xD;
	s31 =	sshrl.u32 s29, $0x2  }
0xb6: {  	s1 =	sand.u32 $0x1, s29;
	s2 =	sand.u32 $0x4000, s30;
	s0 =	sadd.s32 s31, s28  }
0xb7: {  	s1 =	sor.u32 s2, s1;
	s0 =	sshll.u32 s0, $0x11  }
0xb8: {  	s0 =	sor.u32 s0, s1  }
0xb9: {  	s0 =	sadd.s32 $0x8F2B, s0  }
0xba: {  	[sflag:s0] =	ssyncadd.remote.s32 $0x1  }
0xbb: {  	_ =	sfence.sel $0xFFFF  }
0xbc: {  	[dreg:$0x0] =	wrdreg $0xFFFFFFFF;
	(pc) =	sbr.abs _section_cstart, $3  }
0xbd: {  	[dreg:$0x1] =	wrdreg $0xFFFFFFFF  }
0xbe: {  	_ =	task.clear_ibuf [dreg:s4], $0x2FFFF;
	_ =	strace $0x9FFFFFFF  }
0xbf: {  	(tm) =	ssettm $0x7FFFFFFF  }
tec
execute0_lowered:
.L_overlay_start_1:
0x0: {  	(tag) =	ssettag $0x1  }
0x1: {  	s0 =	stileid.u32  }
0x2: {  	s1 =	smin.u32 s0, $0x9  }
0x3: {  	s1 =	sadd.s32 s0, s1  }
0x4: {  	s2 =	simm.s32 $0x320;
	p0 =	slt.u32 s0, $0x9;
	s1 =	smul.u32 $0x190, s1  }
0x5: {  	s2 =	simm.s32 @!p0 $0x190  }
0x6: {  	s2 =	sadd.s32 s2, s1  }
0x7: {  	s3 =	smin.u32 s2, $0x2710  }
0x8: {  	s7 =	ssub.s32 s3, s1  }
0x9: {  	p0 =	sgt.s32 s7, $0x0  }
0xa: {  	s7 =	simm.s32 @!p0 $0x0  }
0xb: {  	s31 =	sand.u32 $0xFFF0, s7  }
0xc: {  	s2 =	sshrl.u32 s31, $0x4  }
0xd: {  	s2 =	smul.u32 $0xA3E, s2  }
0xe: {  	s9 =	rddreg [dreg:$0x0];
	s6 =	simm.s32 $0x1;
	s11 =	simm.s32 $0x3  }
0xf: {  	s13 =	simm.s32 $0x0;
	s12 =	simm.s32 $0x0;
	s8 =	sshrl.u32 s2, $0x10  }
0x10: {  	s4 =	sadd.s32 $0x29000, s9;
	s5 =	sadd.s32 $0xE00, s9;
	s10 =	smul.u32 $0x190, s8  }
.Ltmp0:
0x11: {  	s9 =	sadd.s32 $0x50200, s9;
	s2 =	rddreg [dreg:$0x1];
	(pc) =	sbr.rel .LBB2_1-.Ltmp0, $4  }
0x12: {  	_ =	strace $0x8000004A;
	p0 =	sne.s32 s7, s10;
	s10 =	simm.s32 $0x1  }
0x13: {  	[sflag:s6] =	ssyncpa.u1 $0x0;
	s7 =	simm.s32 $0x2;
	s10 =	simm.s32 @!p0 $0x0  }
0x14: {  	[sflag:s7] =	ssyncpa.u1 $0x0;
	p0 =	por $0x0, $0x0;
	s8 =	sadd.s32 s8, s10  }
0x15: {  	vm0 =	vmmov $0xff;
	vm1 =	vcmask $0x3F20;
	[sflag:s11] =	ssyncpa.u1 $0x0;
	s11 =	smov.u32 s1;
	s10 =	sadd.s32 $0x1, s8  }
.LBB2_6:
0x16: {  	[hbm:s17] =	stream.linear.scatter [tilespmem:s14], [sflag:$0x3], $0x400, $0x38;
	[tilespmem:$0x19320] =	vst v63  }
.LBB2_7:
0x17: {  	s13 =	sadd.s32 $0x190, s11  }
0x18: {  	s15 =	smov.u32 s1;
	p2 =	slt.s32 s13, s3  }
0x19: {  	s15 =	smov.u32 @p2 s13;
	p2 =	sne.s32 s12, s10  }
.Ltmp1:
0x1a: {  	p1 =	slt.u32 s12, $0x2;
	(pc) =	sbr.rel @!p2 .LBB2_8-.Ltmp1, $4  }
0x1b: {  	s14 =	simm.s32 @!p1 $0x3  }
0x1c: {  	s16 =	sadd.s32 $0x1, s12;
	_ =	swait.ge @!p1 [sflag:s14], $0xC800  }
0x1d: {  	p0 =	por !p0, !p0;
	s13 =	smov.u32 s11;
	[sflag:s14] =	ssyncset.done @!p1 $0x0  }
0x1e: {  	s12 =	smov.u32 s16;
	s11 =	smov.u32 s15;
	[sflag:s14] =	ssyncadd.s32 @!p1 $0xFFFF3800  }
.LBB2_1:
0x1f: {  	p1 =	sge.u32 s12, s8  }
0x20: {  	s14 =	sxor.u32 @!p1 $0xFFFFFFFF, s12  }
0x21: {  	s14 =	sand.u32 @!p1 $0x1, s14  }
0x22: {  	s14 =	smul.u32 @!p1 $0x640, s14  }
0x23: {  	s31 =	sadd.s32 $0xFFFFFFFF, s12;
	s15 =	sshrl.u32 @!p1 s11, $0x3  }
0x24: {  	s16 =	sand.u32 @!p1 $0x7, s11;
	s15 =	sadd.s32 @!p1 s5, s15;
	s14 =	sshrl.u32 @!p1 s14, $0x2  }
0x25: {  	[tilespmem:s14], [sflag:$0x2] =	stream.linear.gather @!p1 [hbm4b:s15+s16], $0x190, $0x38;
	[tilespmem:$0x19320] =	vst v63  }
0x26: {  	p1 =	sge.u32 s31, s8  }
.Ltmp2:
0x27: {  	_ = 	snop;
	(pc) =	sbr.rel @p1 .LBB2_7-.Ltmp2, $1  }
0x28: {  	_ =	sdelay $0x3  }
0x29: {  	s14 =	simm.s32 $0x1  }
0x2a: {  	s14 =	simm.s32 @!p0 $0x0  }
0x2b: {  	s15 =	smul.u32 $0x640, s14  }
0x2c: {  	_ =	swait.ge [sflag:s7], $0x190  }
0x2d: {  	[sflag:s7] =	ssyncset.done $0x0;
	s16 =	sshrl.u32 s15, $0x2  }
0x2e: {  	[sflag:s7] =	ssyncadd.s32 $0xFFFFFE70;
	s15 =	sadd.s32 $0x0, s16  }
0x2f: {  	v0 =	vld.msk [tilespmem:s15+$0x0 ss:$0x1], $0xffff;
	_ =	sdelay $0x4  }
0x30: {  	vm2 =	vgt.s32 v0, $0x0  }
0x31: {  	v0 =	vnsel vm2, $0x0, v0  }
0x32: {  	v0 =	vmin.u32 v0, $0x270F  }
0x33: {  	v0 =	vshll.u32 v0, $0x4  }
0x34: {  	s14 =	smul.u32 $0x32000, s14;
	_ =	sdelay $0x1  }
0x35: {  	s14 =	sshrl.u32 s14, $0x2  }
0x36: {  	s14 =	sor.u32 $0x320, s14  }
0x37: {  	[tilespmem:s14], [sflag:$0x1] =	stream.indirect_vreg.gather [hbm:s4], $0x80, v0, vm0, $0x38;
	[tilespmem:$0x19320] =	vst v63  }
0x38: {  	s17 =	sadd.s32 $0x10, s16;
	s15 =	sadd.s32 $0x400, s14  }
0x39: {  	[tilespmem:s15], [sflag:$0x1] =	stream.indirect_vreg.gather [hbm:s4], $0x80, v0, vm1, $0x38;
	[tilespmem:$0x19320] =	vst v63  }
0x3a: {  	s18 =	simm.s32 $0x80;
	v0 =	vld.msk [tilespmem:s17+$0x0 ss:$0x1], $0xffff;
	s17 =	smov.u32 s14  }
.LBB2_3:
0x3b: {  	p1 =	sne.s32 s18, $0x600;
	_ =	sdelay $0x4  }
0x3c: {  	vm2 =	vgt.s32 v0, $0x0  }
0x3d: {  	v0 =	vnsel vm2, $0x0, v0  }
0x3e: {  	v0 =	vmin.u32 v0, $0x270F  }
0x3f: {  	v0 =	vshll.u32 v0, $0x4;
	_ =	sdelay $0x3  }
.Ltmp3:
0x40: {  	s19 =	sshra.s32 s18, $0x2;
	s17 =	sadd.s32 $0x800, s17;
	(pc) =	sbr.rel @p1 .LBB2_3-.Ltmp3, $4  }
0x41: {  	[tilespmem:s17], [sflag:$0x1] =	stream.indirect_vreg.gather [hbm:s4], $0x80, v0, vm0, $0x38;
	[tilespmem:$0x19320] =	vst v63  }
0x42: {  	s19 =	sadd.s32 s19, s16;
	s20 =	sadd.s32 $0x400, s17  }
0x43: {  	[tilespmem:s20], [sflag:$0x1] =	stream.indirect_vreg.gather [hbm:s4], $0x80, v0, vm1, $0x38;
	[tilespmem:$0x19320] =	vst v63  }
0x44: {  	s18 =	sadd.s32 $0x40, s18;
	v0 =	vld.msk [tilespmem:s19+$0x0 ss:$0x1], $0xffff  }
0x45: {  	_ =	sdelay $0x3  }
0x46: {  	vm2 =	vgt.s32 v0, $0x0  }
0x47: {  	v0 =	vnsel vm2, $0x0, v0  }
0x48: {  	v0 =	vmin.u32 v0, $0x270F  }
0x49: {  	v0 =	vshll.u32 v0, $0x4;
	_ =	sdelay $0x3  }
0x4a: {  	s16 =	sadd.s32 $0x800, s17  }
0x4b: {  	[tilespmem:s16], [sflag:$0x1] =	stream.indirect_vreg.gather [hbm:s4], $0x80, v0, vm0, $0x38;
	[tilespmem:$0x19320] =	vst v63  }
0x4c: {  	s16 =	sadd.s32 $0x400, s16  }
0x4d: {  	[tilespmem:s16], [sflag:$0x1] =	stream.indirect_vreg.gather [hbm:s4], $0x80, v0, vm1, $0x38;
	[tilespmem:$0x19320] =	vst v63  }
0x4e: {  	s13 =	sshll.u32 s13, $0x4;
	_ =	swait.ge [sflag:s6], $0xC800  }
0x4f: {  	s13 =	sadd.s32 s13, s9;
	[sflag:s6] =	ssyncset.done $0x0  }
0x50: {  	s17 =	sadd.s32 $0x0, s13;
	s16 =	simm.s32 $0x80;
	[sflag:s6] =	ssyncadd.s32 $0xFFFF3800  }
.LBB2_5:
0x51: {  	[hbm:s17] =	stream.linear.scatter [tilespmem:s14], [sflag:$0x3], $0x400, $0x38;
	[tilespmem:$0x19320] =	vst v63  }
0x52: {  	s17 =	smov.u32 s16;
	s14 =	smov.u32 s15;
	p1 =	sne.s32 s16, $0x1880  }
.Ltmp4:
0x53: {  	s16 =	sadd.s32 $0x80, s16;
	(pc) =	sbr.rel @p1 .LBB2_5-.Ltmp4, $2  }
0x54: {  	_ =	sdelay $0x2  }
0x55: {  	s15 =	sadd.s32 $0x400, s15;
	s17 =	sadd.s32 s17, s13  }
.Ltmp5:
0x56: {  	_ = 	snop;
	(pc) =	sbr.rel .LBB2_6-.Ltmp5, $1  }
0x57: {  	_ =	sdelay $0x3  }
.LBB2_8:
0x58: {  	_ =	sfence.sel $0x180000  }
0x59: {  	s1 =	simm.s32 $0x2;
	[bflag:$0x0] =	sbarrier.arrive $0xFFFF  }
0x5a: {  	s30 =	simm.s32 $0x3;
	[sflag:s1] =	ssyncpa.u1 $0x1  }
0x5b: {  	s31 =	simm.s32 $0x1;
	[sflag:s30] =	ssyncpa.u1 $0x1  }
0x5c: {  	[sflag:s31] =	ssyncpa.u1 $0x1  }
0x5d: {  	p0 =	sne.s32 s0, $0x0;
	_ =	strace $0x9000004A  }
0x5e: {  	s0 =	sadd.s32 @!p0 $0x100000, s2;
	[bflag:$0x2] =	sbarrier.arrive $0xFFFF  }
0x5f: {  	[sflag:s0] =	ssyncadd.tile.s32 @!p0 $0x1;
	_ =	shalt  }
.Lfunc_end2:
_tile_overlayer_lowered:
.L_overlay_start_2:
0x60: {  	(tag) =	ssettag $0x2  }
0x61: {  	s0 =	rddreg [dreg:$0x0];
	s2 =	stileid.u32  }
0x62: {  	s1 =	rddreg [dreg:$0x1];
	p0 =	sne.s32 s2, $0x0  }
0x63: {  	s3 =	rddreg [dreg:$0x2];
	[bflag:$0x3] =	sbarrier.arrive $0xFFFF;
	s2 =	simm.s32 @!p0 $0x1C01  }
0x64: {  	[timem:s3], [sflag:s2] =	dma.local @!p0 [hbm:s0], s1  }
0x65: {  	s0 =	simm.s32 @!p0 $0x1  }
0x66: {  	_ =	swait.ge @!p0 [sflag:s0], s1  }
0x67: {  	s1 =	ssub.s32 @!p0 $0x0, s1;
	[sflag:s0] =	ssyncset.done @!p0 $0x0  }
0x68: {  	[sflag:s0] =	ssyncadd.s32 @!p0 s1  }
0x69: {  	[bflag:$0x3] =	sbarrier.arrive $0xFFFF  }
0x6a: {  	_ =	shalt  }

</sc_bundles>
